<compile_context>
chip_gen: v7x
topology: tpu7x:2x2x1
jax: 0.10.2.dev20260603
libtpu: 0.0.44.dev20260713+nightly
codegen_flags: <defaults>
</compile_context>

<pallas_src>
import functools

import jax
import jax.numpy as jnp
from jax import lax
from jax.experimental import pallas as pl
from jax.experimental.pallas import tpu as pltpu
from jax.experimental.pallas import tpu_sc as plsc

VOCAB = 1000000
DIM = 64
BATCH = 16384
HIST = 50

_NW = 32
_BPW = BATCH // _NW
_CB = 8
_NCHUNK = _BPW // _CB
_HALF = _BPW // 2
_HP = 56


def _body(xt_hbm, table_hbm, out_hbm, idx_ht, idx_bv, buf0, buf1, gsem0, gsem1):
    wid = lax.axis_index("s") * 2 + lax.axis_index("c")
    b0 = wid * _BPW

    iota = lax.iota(jnp.int32, 16)
    for half in range(2):
        pltpu.sync_copy(xt_hbm.at[:, pl.ds(b0 + half * _HALF, _HALF)], idx_ht)
        for bbg in range(_HALF // 16):
            base = (half * _HALF + bbg * 16) * _HP + iota * _HP

            @pl.loop(0, HIST)
            def _(h):
                v = idx_ht[h, pl.ds(bbg * 16, 16)]
                plsc.store_scatter(idx_bv, [base + h], v)

    bufs = (buf0, buf1)
    gsems = (gsem0, gsem1)

    def fire(c, b):
        for k in range(_CB):
            off = pl.multiple_of((c * _CB + k) * _HP, 8)
            pltpu.async_copy(
                table_hbm.at[idx_bv.at[pl.ds(off, HIST)]],
                bufs[b].at[k],
                gsems[b],
            )

    def drain(b):
        for k in range(_CB):
            pltpu.make_async_copy(
                table_hbm.at[idx_bv.at[pl.ds(k * _HP, HIST)]],
                bufs[b].at[k],
                gsems[b],
            ).wait()

    fire(0, 0)

    @pl.loop(0, _NCHUNK, step=2)
    def _(c):
        for b in range(2):
            cc = c + b

            @pl.when(cc + 1 < _NCHUNK)
            def _():
                fire(cc + 1, 1 - b)

            drain(b)
            pltpu.sync_copy(bufs[b], out_hbm.at[pl.ds(b0 + cc * _CB, _CB)])


@jax.jit
def kernel(x, table):
    mesh = plsc.VectorSubcoreMesh(core_axis_name="c", subcore_axis_name="s")
    out = pl.kernel(
        _body,
        out_type=jax.ShapeDtypeStruct((BATCH, HIST, DIM), jnp.float32),
        mesh=mesh,
        scratch_types=[
            pltpu.VMEM((HIST, _HALF), jnp.int32),
            pltpu.VMEM((_BPW * _HP,), jnp.int32),
            pltpu.VMEM((_CB, HIST, DIM), jnp.float32),
            pltpu.VMEM((_CB, HIST, DIM), jnp.float32),
            pltpu.SemaphoreType.DMA,
            pltpu.SemaphoreType.DMA,
        ],
        compiler_params=pltpu.CompilerParams(
            use_tc_tiling_on_sc=False, needs_layout_passes=False
        ),
    )(x.T.astype(jnp.int32), table)
    return out

# --- scband reference (transcript-rebuilt; emitter-appended) ---
"""Pipeline reference for scband-mock-embedding-70806830842241 (READ-ONLY COPY).

The authoritative reference and input builder live on the scoring server;
editing this copy changes nothing except your own understanding.
"""

import jax, jax.numpy as jnp
import numpy as np

VOCAB = 1000000
DIM = 64
BATCH = 16384
HIST = 50

def setup_inputs(seed: int = 0) -> dict:
    key = jax.random.key(seed)
    k1, k2 = jax.random.split(key)
    x = jax.random.randint(k1, (BATCH, HIST), 0, VOCAB, dtype=jnp.int64 if jax.config.jax_enable_x64 else jnp.int32)
    table = jax.random.normal(k2, (VOCAB, DIM), dtype=jnp.float32) * 0.02
    return {"x": x, "table": table}

def reference(x, table):
    # nn.Embedding forward: gather rows of the table by index
    return jnp.take(table, x, axis=0)

if __name__ == "__main__":
    import jax
    _d = setup_inputs()
    print(jax.jit(kernel)(*tuple(_d.values())))

</pallas_src>

<mosaic_0001>
#map = affine_map<(d0, d1) -> (0, 0)>
#map1 = affine_map<(d0, d1) -> (0, 0, 0)>
module attributes {stable_mosaic.version = 14 : i64} {
  func.func @_body(%arg0: i32, %arg1: i32, %arg2: memref<50x16384xi32, #tpu.memory_space<hbm>>, %arg3: memref<1000000x64xf32, #tpu.memory_space<hbm>>, %arg4: memref<16384x50x64xf32, #tpu.memory_space<hbm>>, %arg5: memref<50x256xi32, #tpu.memory_space<vmem>>, %arg6: memref<28672xi32, #tpu.memory_space<vmem>>, %arg7: memref<8x50x64xf32, #tpu.memory_space<vmem>>, %arg8: memref<8x50x64xf32, #tpu.memory_space<vmem>>, %arg9: memref<!tpu.dma_semaphore, #tpu.memory_space<semaphore_mem>>, %arg10: memref<!tpu.dma_semaphore, #tpu.memory_space<semaphore_mem>>) attributes {dimension_semantics = [#tpu.dimension_semantics<core_parallel>, #tpu.dimension_semantics<subcore_parallel>], iteration_bounds = array<i64: 2, 16>, scalar_prefetch = 0 : i64, scratch_operands = 6 : i64, tpu.core_type = #tpu.core_type<sc_vector_subcore>, window_params = [{transform_indices = #map}, {transform_indices = #map}, {transform_indices = #map1}]} {
    %mul3A = arith.constant 2 : i32
    %mul3A_0 = arith.muli %arg1, %mul3A : i32
    %add3A = arith.addi %mul3A_0, %arg0 : i32
    %mul3A_1 = arith.constant 512 : i32
    %mul3A_2 = arith.muli %add3A, %mul3A_1 : i32
    %iota3A = tpu.iota {dimensions = array<i32: 0>} : vector<16xi32>
    %add3A_3 = arith.constant 0 : i32
    %add3A_4 = arith.addi %mul3A_2, %add3A_3 : i32
    "tpu.region"() ({
      %run_scoped3A = tpu.sem_alloc : memref<!tpu.dma_semaphore, #tpu.memory_space<semaphore_mem>>
      %dma_start3A_449 = arith.constant 0 : i32
      %dma_start3A_450 = tpu.memref_slice %arg2[%dma_start3A_449, %add3A_4] : memref<50x16384xi32, #tpu.memory_space<hbm>> -> memref<50x256xi32, #tpu.memory_space<hbm>>
      %dma_start3A_451 = arith.constant 0 : i32
      %dma_start3A_452 = tpu.memref_slice %arg2[%dma_start3A_451, %add3A_4] : memref<50x16384xi32, #tpu.memory_space<hbm>> -> memref<50x256xi32, #tpu.memory_space<hbm>>
      tpu.enqueue_dma source(%dma_start3A_452 : memref<50x256xi32, #tpu.memory_space<hbm>>) target(%arg5 : memref<50x256xi32, #tpu.memory_space<vmem>>) target_semaphore(%run_scoped3A : memref<!tpu.dma_semaphore, #tpu.memory_space<semaphore_mem>>)
      %dma_wait3A = arith.constant 0 : i32
      %dma_wait3A_453 = tpu.memref_slice %arg2[%dma_wait3A, %add3A_4] : memref<50x16384xi32, #tpu.memory_space<hbm>> -> memref<50x256xi32, #tpu.memory_space<hbm>>
      %dma_wait3A_454 = arith.constant 0 : i32
      %dma_wait3A_455 = tpu.memref_slice %arg2[%dma_wait3A_454, %add3A_4] : memref<50x16384xi32, #tpu.memory_space<hbm>> -> memref<50x256xi32, #tpu.memory_space<hbm>>
      tpu.wait_dma2 semaphore(%run_scoped3A : memref<!tpu.dma_semaphore, #tpu.memory_space<semaphore_mem>>) src(%dma_wait3A_455 : memref<50x256xi32, #tpu.memory_space<hbm>>) dst(%arg5 : memref<50x256xi32, #tpu.memory_space<vmem>>)
      tpu.yield
    }) : () -> ()
    %mul3A_5 = arith.constant 56 : i32
    %mul3A_6 = vector.broadcast %mul3A_5 : i32 to vector<16xi32>
    %mul3A_7 = arith.muli %iota3A, %mul3A_6 : vector<16xi32>
    %add3A_8 = arith.constant 0 : i32
    %add3A_9 = vector.broadcast %add3A_8 : i32 to vector<16xi32>
    %add3A_10 = arith.addi %add3A_9, %mul3A_7 : vector<16xi32>
    %scan3A = arith.constant 0 : i32
    %scan3A_11 = arith.constant 50 : i32
    %scan3A_12 = arith.addi %scan3A, %scan3A_11 : i32
    %scan3A_13 = arith.constant 1 : i32
    scf.for %scan3A_449 = %scan3A to %scan3A_12 step %scan3A_13  : i32 {
      %mul3A_450 = arith.constant 1 : i32
      %mul3A_451 = arith.muli %scan3A_449, %mul3A_450 : i32
      %add3A_452 = arith.constant 0 : i32
      %add3A_453 = arith.addi %add3A_452, %mul3A_451 : i32
      %get3A = arith.index_cast %add3A_453 : i32 to index
      %get3A_454 = arith.constant 0 : index
      %get3A_455 = tpu.vector_load %arg5[%get3A, %get3A_454] {strides = array<i32>} : memref<50x256xi32, #tpu.memory_space<vmem>>, vector<16xi32>,
      %add3A_456 = vector.broadcast %add3A_453 : i32 to vector<16xi32>
      %add3A_457 = arith.addi %add3A_10, %add3A_456 : vector<16xi32>
      tpu.vector_store_idx %arg6[%add3A_457], %get3A_455 : memref<28672xi32, #tpu.memory_space<vmem>>[vector<16xi32>], vector<16xi32>,
    }
    %scan3A_14 = arith.constant 50 : i32
    %mul3A_15 = arith.constant 56 : i32
    %mul3A_16 = vector.broadcast %mul3A_15 : i32 to vector<16xi32>
    %mul3A_17 = arith.muli %iota3A, %mul3A_16 : vector<16xi32>
    %add3A_18 = arith.constant 896 : i32
    %add3A_19 = vector.broadcast %add3A_18 : i32 to vector<16xi32>
    %add3A_20 = arith.addi %add3A_19, %mul3A_17 : vector<16xi32>
    %scan3A_21 = arith.constant 0 : i32
    %scan3A_22 = arith.constant 50 : i32
    %scan3A_23 = arith.addi %scan3A_21, %scan3A_22 : i32
    %scan3A_24 = arith.constant 1 : i32
    scf.for %scan3A_449 = %scan3A_21 to %scan3A_23 step %scan3A_24  : i32 {
      %mul3A_450 = arith.constant 1 : i32
      %mul3A_451 = arith.muli %scan3A_449, %mul3A_450 : i32
      %add3A_452 = arith.constant 0 : i32
      %add3A_453 = arith.addi %add3A_452, %mul3A_451 : i32
      %get3A = arith.index_cast %add3A_453 : i32 to index
      %get3A_454 = arith.constant 16 : index
      %get3A_455 = tpu.vector_load %arg5[%get3A, %get3A_454] {strides = array<i32>} : memref<50x256xi32, #tpu.memory_space<vmem>>, vector<16xi32>,
      %add3A_456 = vector.broadcast %add3A_453 : i32 to vector<16xi32>
      %add3A_457 = arith.addi %add3A_20, %add3A_456 : vector<16xi32>
      tpu.vector_store_idx %arg6[%add3A_457], %get3A_455 : memref<28672xi32, #tpu.memory_space<vmem>>[vector<16xi32>], vector<16xi32>,
    }
    %scan3A_25 = arith.constant 50 : i32
    %mul3A_26 = arith.constant 56 : i32
    %mul3A_27 = vector.broadcast %mul3A_26 : i32 to vector<16xi32>
    %mul3A_28 = arith.muli %iota3A, %mul3A_27 : vector<16xi32>
    %add3A_29 = arith.constant 1792 : i32
    %add3A_30 = vector.broadcast %add3A_29 : i32 to vector<16xi32>
    %add3A_31 = arith.addi %add3A_30, %mul3A_28 : vector<16xi32>
    %scan3A_32 = arith.constant 0 : i32
    %scan3A_33 = arith.constant 50 : i32
    %scan3A_34 = arith.addi %scan3A_32, %scan3A_33 : i32
    %scan3A_35 = arith.constant 1 : i32
    scf.for %scan3A_449 = %scan3A_32 to %scan3A_34 step %scan3A_35  : i32 {
      %mul3A_450 = arith.constant 1 : i32
      %mul3A_451 = arith.muli %scan3A_449, %mul3A_450 : i32
      %add3A_452 = arith.constant 0 : i32
      %add3A_453 = arith.addi %add3A_452, %mul3A_451 : i32
      %get3A = arith.index_cast %add3A_453 : i32 to index
      %get3A_454 = arith.constant 32 : index
      %get3A_455 = tpu.vector_load %arg5[%get3A, %get3A_454] {strides = array<i32>} : memref<50x256xi32, #tpu.memory_space<vmem>>, vector<16xi32>,
      %add3A_456 = vector.broadcast %add3A_453 : i32 to vector<16xi32>
      %add3A_457 = arith.addi %add3A_31, %add3A_456 : vector<16xi32>
      tpu.vector_store_idx %arg6[%add3A_457], %get3A_455 : memref<28672xi32, #tpu.memory_space<vmem>>[vector<16xi32>], vector<16xi32>,
    }
    %scan3A_36 = arith.constant 50 : i32
    %mul3A_37 = arith.constant 56 : i32
    %mul3A_38 = vector.broadcast %mul3A_37 : i32 to vector<16xi32>
    %mul3A_39 = arith.muli %iota3A, %mul3A_38 : vector<16xi32>
    %add3A_40 = arith.constant 2688 : i32
    %add3A_41 = vector.broadcast %add3A_40 : i32 to vector<16xi32>
    %add3A_42 = arith.addi %add3A_41, %mul3A_39 : vector<16xi32>
    %scan3A_43 = arith.constant 0 : i32
    %scan3A_44 = arith.constant 50 : i32
    %scan3A_45 = arith.addi %scan3A_43, %scan3A_44 : i32
    %scan3A_46 = arith.constant 1 : i32
    scf.for %scan3A_449 = %scan3A_43 to %scan3A_45 step %scan3A_46  : i32 {
      %mul3A_450 = arith.constant 1 : i32
      %mul3A_451 = arith.muli %scan3A_449, %mul3A_450 : i32
      %add3A_452 = arith.constant 0 : i32
      %add3A_453 = arith.addi %add3A_452, %mul3A_451 : i32
      %get3A = arith.index_cast %add3A_453 : i32 to index
      %get3A_454 = arith.constant 48 : index
      %get3A_455 = tpu.vector_load %arg5[%get3A, %get3A_454] {strides = array<i32>} : memref<50x256xi32, #tpu.memory_space<vmem>>, vector<16xi32>,
      %add3A_456 = vector.broadcast %add3A_453 : i32 to vector<16xi32>
      %add3A_457 = arith.addi %add3A_42, %add3A_456 : vector<16xi32>
      tpu.vector_store_idx %arg6[%add3A_457], %get3A_455 : memref<28672xi32, #tpu.memory_space<vmem>>[vector<16xi32>], vector<16xi32>,
    }
    %scan3A_47 = arith.constant 50 : i32
    %mul3A_48 = arith.constant 56 : i32
    %mul3A_49 = vector.broadcast %mul3A_48 : i32 to vector<16xi32>
    %mul3A_50 = arith.muli %iota3A, %mul3A_49 : vector<16xi32>
    %add3A_51 = arith.constant 3584 : i32
    %add3A_52 = vector.broadcast %add3A_51 : i32 to vector<16xi32>
    %add3A_53 = arith.addi %add3A_52, %mul3A_50 : vector<16xi32>
    %scan3A_54 = arith.constant 0 : i32
    %scan3A_55 = arith.constant 50 : i32
    %scan3A_56 = arith.addi %scan3A_54, %scan3A_55 : i32
    %scan3A_57 = arith.constant 1 : i32
    scf.for %scan3A_449 = %scan3A_54 to %scan3A_56 step %scan3A_57  : i32 {
      %mul3A_450 = arith.constant 1 : i32
      %mul3A_451 = arith.muli %scan3A_449, %mul3A_450 : i32
      %add3A_452 = arith.constant 0 : i32
      %add3A_453 = arith.addi %add3A_452, %mul3A_451 : i32
      %get3A = arith.index_cast %add3A_453 : i32 to index
      %get3A_454 = arith.constant 64 : index
      %get3A_455 = tpu.vector_load %arg5[%get3A, %get3A_454] {strides = array<i32>} : memref<50x256xi32, #tpu.memory_space<vmem>>, vector<16xi32>,
      %add3A_456 = vector.broadcast %add3A_453 : i32 to vector<16xi32>
      %add3A_457 = arith.addi %add3A_53, %add3A_456 : vector<16xi32>
      tpu.vector_store_idx %arg6[%add3A_457], %get3A_455 : memref<28672xi32, #tpu.memory_space<vmem>>[vector<16xi32>], vector<16xi32>,
    }
    %scan3A_58 = arith.constant 50 : i32
    %mul3A_59 = arith.constant 56 : i32
    %mul3A_60 = vector.broadcast %mul3A_59 : i32 to vector<16xi32>
    %mul3A_61 = arith.muli %iota3A, %mul3A_60 : vector<16xi32>
    %add3A_62 = arith.constant 4480 : i32
    %add3A_63 = vector.broadcast %add3A_62 : i32 to vector<16xi32>
    %add3A_64 = arith.addi %add3A_63, %mul3A_61 : vector<16xi32>
    %scan3A_65 = arith.constant 0 : i32
    %scan3A_66 = arith.constant 50 : i32
    %scan3A_67 = arith.addi %scan3A_65, %scan3A_66 : i32
    %scan3A_68 = arith.constant 1 : i32
    scf.for %scan3A_449 = %scan3A_65 to %scan3A_67 step %scan3A_68  : i32 {
      %mul3A_450 = arith.constant 1 : i32
      %mul3A_451 = arith.muli %scan3A_449, %mul3A_450 : i32
      %add3A_452 = arith.constant 0 : i32
      %add3A_453 = arith.addi %add3A_452, %mul3A_451 : i32
      %get3A = arith.index_cast %add3A_453 : i32 to index
      %get3A_454 = arith.constant 80 : index
      %get3A_455 = tpu.vector_load %arg5[%get3A, %get3A_454] {strides = array<i32>} : memref<50x256xi32, #tpu.memory_space<vmem>>, vector<16xi32>,
      %add3A_456 = vector.broadcast %add3A_453 : i32 to vector<16xi32>
      %add3A_457 = arith.addi %add3A_64, %add3A_456 : vector<16xi32>
      tpu.vector_store_idx %arg6[%add3A_457], %get3A_455 : memref<28672xi32, #tpu.memory_space<vmem>>[vector<16xi32>], vector<16xi32>,
    }
    %scan3A_69 = arith.constant 50 : i32
    %mul3A_70 = arith.constant 56 : i32
    %mul3A_71 = vector.broadcast %mul3A_70 : i32 to vector<16xi32>
    %mul3A_72 = arith.muli %iota3A, %mul3A_71 : vector<16xi32>
    %add3A_73 = arith.constant 5376 : i32
    %add3A_74 = vector.broadcast %add3A_73 : i32 to vector<16xi32>
    %add3A_75 = arith.addi %add3A_74, %mul3A_72 : vector<16xi32>
    %scan3A_76 = arith.constant 0 : i32
    %scan3A_77 = arith.constant 50 : i32
    %scan3A_78 = arith.addi %scan3A_76, %scan3A_77 : i32
    %scan3A_79 = arith.constant 1 : i32
    scf.for %scan3A_449 = %scan3A_76 to %scan3A_78 step %scan3A_79  : i32 {
      %mul3A_450 = arith.constant 1 : i32
      %mul3A_451 = arith.muli %scan3A_449, %mul3A_450 : i32
      %add3A_452 = arith.constant 0 : i32
      %add3A_453 = arith.addi %add3A_452, %mul3A_451 : i32
      %get3A = arith.index_cast %add3A_453 : i32 to index
      %get3A_454 = arith.constant 96 : index
      %get3A_455 = tpu.vector_load %arg5[%get3A, %get3A_454] {strides = array<i32>} : memref<50x256xi32, #tpu.memory_space<vmem>>, vector<16xi32>,
      %add3A_456 = vector.broadcast %add3A_453 : i32 to vector<16xi32>
      %add3A_457 = arith.addi %add3A_75, %add3A_456 : vector<16xi32>
      tpu.vector_store_idx %arg6[%add3A_457], %get3A_455 : memref<28672xi32, #tpu.memory_space<vmem>>[vector<16xi32>], vector<16xi32>,
    }
    %scan3A_80 = arith.constant 50 : i32
    %mul3A_81 = arith.constant 56 : i32
    %mul3A_82 = vector.broadcast %mul3A_81 : i32 to vector<16xi32>
    %mul3A_83 = arith.muli %iota3A, %mul3A_82 : vector<16xi32>
    %add3A_84 = arith.constant 6272 : i32
    %add3A_85 = vector.broadcast %add3A_84 : i32 to vector<16xi32>
    %add3A_86 = arith.addi %add3A_85, %mul3A_83 : vector<16xi32>
    %scan3A_87 = arith.constant 0 : i32
    %scan3A_88 = arith.constant 50 : i32
    %scan3A_89 = arith.addi %scan3A_87, %scan3A_88 : i32
    %scan3A_90 = arith.constant 1 : i32
    scf.for %scan3A_449 = %scan3A_87 to %scan3A_89 step %scan3A_90  : i32 {
      %mul3A_450 = arith.constant 1 : i32
      %mul3A_451 = arith.muli %scan3A_449, %mul3A_450 : i32
      %add3A_452 = arith.constant 0 : i32
      %add3A_453 = arith.addi %add3A_452, %mul3A_451 : i32
      %get3A = arith.index_cast %add3A_453 : i32 to index
      %get3A_454 = arith.constant 112 : index
      %get3A_455 = tpu.vector_load %arg5[%get3A, %get3A_454] {strides = array<i32>} : memref<50x256xi32, #tpu.memory_space<vmem>>, vector<16xi32>,
      %add3A_456 = vector.broadcast %add3A_453 : i32 to vector<16xi32>
      %add3A_457 = arith.addi %add3A_86, %add3A_456 : vector<16xi32>
      tpu.vector_store_idx %arg6[%add3A_457], %get3A_455 : memref<28672xi32, #tpu.memory_space<vmem>>[vector<16xi32>], vector<16xi32>,
    }
    %scan3A_91 = arith.constant 50 : i32
    %mul3A_92 = arith.constant 56 : i32
    %mul3A_93 = vector.broadcast %mul3A_92 : i32 to vector<16xi32>
    %mul3A_94 = arith.muli %iota3A, %mul3A_93 : vector<16xi32>
    %add3A_95 = arith.constant 7168 : i32
    %add3A_96 = vector.broadcast %add3A_95 : i32 to vector<16xi32>
    %add3A_97 = arith.addi %add3A_96, %mul3A_94 : vector<16xi32>
    %scan3A_98 = arith.constant 0 : i32
    %scan3A_99 = arith.constant 50 : i32
    %scan3A_100 = arith.addi %scan3A_98, %scan3A_99 : i32
    %scan3A_101 = arith.constant 1 : i32
    scf.for %scan3A_449 = %scan3A_98 to %scan3A_100 step %scan3A_101  : i32 {
      %mul3A_450 = arith.constant 1 : i32
      %mul3A_451 = arith.muli %scan3A_449, %mul3A_450 : i32
      %add3A_452 = arith.constant 0 : i32
      %add3A_453 = arith.addi %add3A_452, %mul3A_451 : i32
      %get3A = arith.index_cast %add3A_453 : i32 to index
      %get3A_454 = arith.constant 128 : index
      %get3A_455 = tpu.vector_load %arg5[%get3A, %get3A_454] {strides = array<i32>} : memref<50x256xi32, #tpu.memory_space<vmem>>, vector<16xi32>,
      %add3A_456 = vector.broadcast %add3A_453 : i32 to vector<16xi32>
      %add3A_457 = arith.addi %add3A_97, %add3A_456 : vector<16xi32>
      tpu.vector_store_idx %arg6[%add3A_457], %get3A_455 : memref<28672xi32, #tpu.memory_space<vmem>>[vector<16xi32>], vector<16xi32>,
    }
    %scan3A_102 = arith.constant 50 : i32
    %mul3A_103 = arith.constant 56 : i32
    %mul3A_104 = vector.broadcast %mul3A_103 : i32 to vector<16xi32>
    %mul3A_105 = arith.muli %iota3A, %mul3A_104 : vector<16xi32>
    %add3A_106 = arith.constant 8064 : i32
    %add3A_107 = vector.broadcast %add3A_106 : i32 to vector<16xi32>
    %add3A_108 = arith.addi %add3A_107, %mul3A_105 : vector<16xi32>
    %scan3A_109 = arith.constant 0 : i32
    %scan3A_110 = arith.constant 50 : i32
    %scan3A_111 = arith.addi %scan3A_109, %scan3A_110 : i32
    %scan3A_112 = arith.constant 1 : i32
    scf.for %scan3A_449 = %scan3A_109 to %scan3A_111 step %scan3A_112  : i32 {
      %mul3A_450 = arith.constant 1 : i32
      %mul3A_451 = arith.muli %scan3A_449, %mul3A_450 : i32
      %add3A_452 = arith.constant 0 : i32
      %add3A_453 = arith.addi %add3A_452, %mul3A_451 : i32
      %get3A = arith.index_cast %add3A_453 : i32 to index
      %get3A_454 = arith.constant 144 : index
      %get3A_455 = tpu.vector_load %arg5[%get3A, %get3A_454] {strides = array<i32>} : memref<50x256xi32, #tpu.memory_space<vmem>>, vector<16xi32>,
      %add3A_456 = vector.broadcast %add3A_453 : i32 to vector<16xi32>
      %add3A_457 = arith.addi %add3A_108, %add3A_456 : vector<16xi32>
      tpu.vector_store_idx %arg6[%add3A_457], %get3A_455 : memref<28672xi32, #tpu.memory_space<vmem>>[vector<16xi32>], vector<16xi32>,
    }
    %scan3A_113 = arith.constant 50 : i32
    %mul3A_114 = arith.constant 56 : i32
    %mul3A_115 = vector.broadcast %mul3A_114 : i32 to vector<16xi32>
    %mul3A_116 = arith.muli %iota3A, %mul3A_115 : vector<16xi32>
    %add3A_117 = arith.constant 8960 : i32
    %add3A_118 = vector.broadcast %add3A_117 : i32 to vector<16xi32>
    %add3A_119 = arith.addi %add3A_118, %mul3A_116 : vector<16xi32>
    %scan3A_120 = arith.constant 0 : i32
    %scan3A_121 = arith.constant 50 : i32
    %scan3A_122 = arith.addi %scan3A_120, %scan3A_121 : i32
    %scan3A_123 = arith.constant 1 : i32
    scf.for %scan3A_449 = %scan3A_120 to %scan3A_122 step %scan3A_123  : i32 {
      %mul3A_450 = arith.constant 1 : i32
      %mul3A_451 = arith.muli %scan3A_449, %mul3A_450 : i32
      %add3A_452 = arith.constant 0 : i32
      %add3A_453 = arith.addi %add3A_452, %mul3A_451 : i32
      %get3A = arith.index_cast %add3A_453 : i32 to index
      %get3A_454 = arith.constant 160 : index
      %get3A_455 = tpu.vector_load %arg5[%get3A, %get3A_454] {strides = array<i32>} : memref<50x256xi32, #tpu.memory_space<vmem>>, vector<16xi32>,
      %add3A_456 = vector.broadcast %add3A_453 : i32 to vector<16xi32>
      %add3A_457 = arith.addi %add3A_119, %add3A_456 : vector<16xi32>
      tpu.vector_store_idx %arg6[%add3A_457], %get3A_455 : memref<28672xi32, #tpu.memory_space<vmem>>[vector<16xi32>], vector<16xi32>,
    }
    %scan3A_124 = arith.constant 50 : i32
    %mul3A_125 = arith.constant 56 : i32
    %mul3A_126 = vector.broadcast %mul3A_125 : i32 to vector<16xi32>
    %mul3A_127 = arith.muli %iota3A, %mul3A_126 : vector<16xi32>
    %add3A_128 = arith.constant 9856 : i32
    %add3A_129 = vector.broadcast %add3A_128 : i32 to vector<16xi32>
    %add3A_130 = arith.addi %add3A_129, %mul3A_127 : vector<16xi32>
    %scan3A_131 = arith.constant 0 : i32
    %scan3A_132 = arith.constant 50 : i32
    %scan3A_133 = arith.addi %scan3A_131, %scan3A_132 : i32
    %scan3A_134 = arith.constant 1 : i32
    scf.for %scan3A_449 = %scan3A_131 to %scan3A_133 step %scan3A_134  : i32 {
      %mul3A_450 = arith.constant 1 : i32
      %mul3A_451 = arith.muli %scan3A_449, %mul3A_450 : i32
      %add3A_452 = arith.constant 0 : i32
      %add3A_453 = arith.addi %add3A_452, %mul3A_451 : i32
      %get3A = arith.index_cast %add3A_453 : i32 to index
      %get3A_454 = arith.constant 176 : index
      %get3A_455 = tpu.vector_load %arg5[%get3A, %get3A_454] {strides = array<i32>} : memref<50x256xi32, #tpu.memory_space<vmem>>, vector<16xi32>,
      %add3A_456 = vector.broadcast %add3A_453 : i32 to vector<16xi32>
      %add3A_457 = arith.addi %add3A_130, %add3A_456 : vector<16xi32>
      tpu.vector_store_idx %arg6[%add3A_457], %get3A_455 : memref<28672xi32, #tpu.memory_space<vmem>>[vector<16xi32>], vector<16xi32>,
    }
    %scan3A_135 = arith.constant 50 : i32
    %mul3A_136 = arith.constant 56 : i32
    %mul3A_137 = vector.broadcast %mul3A_136 : i32 to vector<16xi32>
    %mul3A_138 = arith.muli %iota3A, %mul3A_137 : vector<16xi32>
    %add3A_139 = arith.constant 10752 : i32
    %add3A_140 = vector.broadcast %add3A_139 : i32 to vector<16xi32>
    %add3A_141 = arith.addi %add3A_140, %mul3A_138 : vector<16xi32>
    %scan3A_142 = arith.constant 0 : i32
    %scan3A_143 = arith.constant 50 : i32
    %scan3A_144 = arith.addi %scan3A_142, %scan3A_143 : i32
    %scan3A_145 = arith.constant 1 : i32
    scf.for %scan3A_449 = %scan3A_142 to %scan3A_144 step %scan3A_145  : i32 {
      %mul3A_450 = arith.constant 1 : i32
      %mul3A_451 = arith.muli %scan3A_449, %mul3A_450 : i32
      %add3A_452 = arith.constant 0 : i32
      %add3A_453 = arith.addi %add3A_452, %mul3A_451 : i32
      %get3A = arith.index_cast %add3A_453 : i32 to index
      %get3A_454 = arith.constant 192 : index
      %get3A_455 = tpu.vector_load %arg5[%get3A, %get3A_454] {strides = array<i32>} : memref<50x256xi32, #tpu.memory_space<vmem>>, vector<16xi32>,
      %add3A_456 = vector.broadcast %add3A_453 : i32 to vector<16xi32>
      %add3A_457 = arith.addi %add3A_141, %add3A_456 : vector<16xi32>
      tpu.vector_store_idx %arg6[%add3A_457], %get3A_455 : memref<28672xi32, #tpu.memory_space<vmem>>[vector<16xi32>], vector<16xi32>,
    }
    %scan3A_146 = arith.constant 50 : i32
    %mul3A_147 = arith.constant 56 : i32
    %mul3A_148 = vector.broadcast %mul3A_147 : i32 to vector<16xi32>
    %mul3A_149 = arith.muli %iota3A, %mul3A_148 : vector<16xi32>
    %add3A_150 = arith.constant 11648 : i32
    %add3A_151 = vector.broadcast %add3A_150 : i32 to vector<16xi32>
    %add3A_152 = arith.addi %add3A_151, %mul3A_149 : vector<16xi32>
    %scan3A_153 = arith.constant 0 : i32
    %scan3A_154 = arith.constant 50 : i32
    %scan3A_155 = arith.addi %scan3A_153, %scan3A_154 : i32
    %scan3A_156 = arith.constant 1 : i32
    scf.for %scan3A_449 = %scan3A_153 to %scan3A_155 step %scan3A_156  : i32 {
      %mul3A_450 = arith.constant 1 : i32
      %mul3A_451 = arith.muli %scan3A_449, %mul3A_450 : i32
      %add3A_452 = arith.constant 0 : i32
      %add3A_453 = arith.addi %add3A_452, %mul3A_451 : i32
      %get3A = arith.index_cast %add3A_453 : i32 to index
      %get3A_454 = arith.constant 208 : index
      %get3A_455 = tpu.vector_load %arg5[%get3A, %get3A_454] {strides = array<i32>} : memref<50x256xi32, #tpu.memory_space<vmem>>, vector<16xi32>,
      %add3A_456 = vector.broadcast %add3A_453 : i32 to vector<16xi32>
      %add3A_457 = arith.addi %add3A_152, %add3A_456 : vector<16xi32>
      tpu.vector_store_idx %arg6[%add3A_457], %get3A_455 : memref<28672xi32, #tpu.memory_space<vmem>>[vector<16xi32>], vector<16xi32>,
    }
    %scan3A_157 = arith.constant 50 : i32
    %mul3A_158 = arith.constant 56 : i32
    %mul3A_159 = vector.broadcast %mul3A_158 : i32 to vector<16xi32>
    %mul3A_160 = arith.muli %iota3A, %mul3A_159 : vector<16xi32>
    %add3A_161 = arith.constant 12544 : i32
    %add3A_162 = vector.broadcast %add3A_161 : i32 to vector<16xi32>
    %add3A_163 = arith.addi %add3A_162, %mul3A_160 : vector<16xi32>
    %scan3A_164 = arith.constant 0 : i32
    %scan3A_165 = arith.constant 50 : i32
    %scan3A_166 = arith.addi %scan3A_164, %scan3A_165 : i32
    %scan3A_167 = arith.constant 1 : i32
    scf.for %scan3A_449 = %scan3A_164 to %scan3A_166 step %scan3A_167  : i32 {
      %mul3A_450 = arith.constant 1 : i32
      %mul3A_451 = arith.muli %scan3A_449, %mul3A_450 : i32
      %add3A_452 = arith.constant 0 : i32
      %add3A_453 = arith.addi %add3A_452, %mul3A_451 : i32
      %get3A = arith.index_cast %add3A_453 : i32 to index
      %get3A_454 = arith.constant 224 : index
      %get3A_455 = tpu.vector_load %arg5[%get3A, %get3A_454] {strides = array<i32>} : memref<50x256xi32, #tpu.memory_space<vmem>>, vector<16xi32>,
      %add3A_456 = vector.broadcast %add3A_453 : i32 to vector<16xi32>
      %add3A_457 = arith.addi %add3A_163, %add3A_456 : vector<16xi32>
      tpu.vector_store_idx %arg6[%add3A_457], %get3A_455 : memref<28672xi32, #tpu.memory_space<vmem>>[vector<16xi32>], vector<16xi32>,
    }
    %scan3A_168 = arith.constant 50 : i32
    %mul3A_169 = arith.constant 56 : i32
    %mul3A_170 = vector.broadcast %mul3A_169 : i32 to vector<16xi32>
    %mul3A_171 = arith.muli %iota3A, %mul3A_170 : vector<16xi32>
    %add3A_172 = arith.constant 13440 : i32
    %add3A_173 = vector.broadcast %add3A_172 : i32 to vector<16xi32>
    %add3A_174 = arith.addi %add3A_173, %mul3A_171 : vector<16xi32>
    %scan3A_175 = arith.constant 0 : i32
    %scan3A_176 = arith.constant 50 : i32
    %scan3A_177 = arith.addi %scan3A_175, %scan3A_176 : i32
    %scan3A_178 = arith.constant 1 : i32
    scf.for %scan3A_449 = %scan3A_175 to %scan3A_177 step %scan3A_178  : i32 {
      %mul3A_450 = arith.constant 1 : i32
      %mul3A_451 = arith.muli %scan3A_449, %mul3A_450 : i32
      %add3A_452 = arith.constant 0 : i32
      %add3A_453 = arith.addi %add3A_452, %mul3A_451 : i32
      %get3A = arith.index_cast %add3A_453 : i32 to index
      %get3A_454 = arith.constant 240 : index
      %get3A_455 = tpu.vector_load %arg5[%get3A, %get3A_454] {strides = array<i32>} : memref<50x256xi32, #tpu.memory_space<vmem>>, vector<16xi32>,
      %add3A_456 = vector.broadcast %add3A_453 : i32 to vector<16xi32>
      %add3A_457 = arith.addi %add3A_174, %add3A_456 : vector<16xi32>
      tpu.vector_store_idx %arg6[%add3A_457], %get3A_455 : memref<28672xi32, #tpu.memory_space<vmem>>[vector<16xi32>], vector<16xi32>,
    }
    %scan3A_179 = arith.constant 50 : i32
    %add3A_180 = arith.constant 256 : i32
    %add3A_181 = arith.addi %mul3A_2, %add3A_180 : i32
    "tpu.region"() ({
      %run_scoped3A = tpu.sem_alloc : memref<!tpu.dma_semaphore, #tpu.memory_space<semaphore_mem>>
      %dma_start3A_449 = arith.constant 0 : i32
      %dma_start3A_450 = tpu.memref_slice %arg2[%dma_start3A_449, %add3A_181] : memref<50x16384xi32, #tpu.memory_space<hbm>> -> memref<50x256xi32, #tpu.memory_space<hbm>>
      %dma_start3A_451 = arith.constant 0 : i32
      %dma_start3A_452 = tpu.memref_slice %arg2[%dma_start3A_451, %add3A_181] : memref<50x16384xi32, #tpu.memory_space<hbm>> -> memref<50x256xi32, #tpu.memory_space<hbm>>
      tpu.enqueue_dma source(%dma_start3A_452 : memref<50x256xi32, #tpu.memory_space<hbm>>) target(%arg5 : memref<50x256xi32, #tpu.memory_space<vmem>>) target_semaphore(%run_scoped3A : memref<!tpu.dma_semaphore, #tpu.memory_space<semaphore_mem>>)
      %dma_wait3A = arith.constant 0 : i32
      %dma_wait3A_453 = tpu.memref_slice %arg2[%dma_wait3A, %add3A_181] : memref<50x16384xi32, #tpu.memory_space<hbm>> -> memref<50x256xi32, #tpu.memory_space<hbm>>
      %dma_wait3A_454 = arith.constant 0 : i32
      %dma_wait3A_455 = tpu.memref_slice %arg2[%dma_wait3A_454, %add3A_181] : memref<50x16384xi32, #tpu.memory_space<hbm>> -> memref<50x256xi32, #tpu.memory_space<hbm>>
      tpu.wait_dma2 semaphore(%run_scoped3A : memref<!tpu.dma_semaphore, #tpu.memory_space<semaphore_mem>>) src(%dma_wait3A_455 : memref<50x256xi32, #tpu.memory_space<hbm>>) dst(%arg5 : memref<50x256xi32, #tpu.memory_space<vmem>>)
      tpu.yield
    }) : () -> ()
    %mul3A_182 = arith.constant 56 : i32
    %mul3A_183 = vector.broadcast %mul3A_182 : i32 to vector<16xi32>
    %mul3A_184 = arith.muli %iota3A, %mul3A_183 : vector<16xi32>
    %add3A_185 = arith.constant 14336 : i32
    %add3A_186 = vector.broadcast %add3A_185 : i32 to vector<16xi32>
    %add3A_187 = arith.addi %add3A_186, %mul3A_184 : vector<16xi32>
    %scan3A_188 = arith.constant 0 : i32
    %scan3A_189 = arith.constant 50 : i32
    %scan3A_190 = arith.addi %scan3A_188, %scan3A_189 : i32
    %scan3A_191 = arith.constant 1 : i32
    scf.for %scan3A_449 = %scan3A_188 to %scan3A_190 step %scan3A_191  : i32 {
      %mul3A_450 = arith.constant 1 : i32
      %mul3A_451 = arith.muli %scan3A_449, %mul3A_450 : i32
      %add3A_452 = arith.constant 0 : i32
      %add3A_453 = arith.addi %add3A_452, %mul3A_451 : i32
      %get3A = arith.index_cast %add3A_453 : i32 to index
      %get3A_454 = arith.constant 0 : index
      %get3A_455 = tpu.vector_load %arg5[%get3A, %get3A_454] {strides = array<i32>} : memref<50x256xi32, #tpu.memory_space<vmem>>, vector<16xi32>,
      %add3A_456 = vector.broadcast %add3A_453 : i32 to vector<16xi32>
      %add3A_457 = arith.addi %add3A_187, %add3A_456 : vector<16xi32>
      tpu.vector_store_idx %arg6[%add3A_457], %get3A_455 : memref<28672xi32, #tpu.memory_space<vmem>>[vector<16xi32>], vector<16xi32>,
    }
    %scan3A_192 = arith.constant 50 : i32
    %mul3A_193 = arith.constant 56 : i32
    %mul3A_194 = vector.broadcast %mul3A_193 : i32 to vector<16xi32>
    %mul3A_195 = arith.muli %iota3A, %mul3A_194 : vector<16xi32>
    %add3A_196 = arith.constant 15232 : i32
    %add3A_197 = vector.broadcast %add3A_196 : i32 to vector<16xi32>
    %add3A_198 = arith.addi %add3A_197, %mul3A_195 : vector<16xi32>
    %scan3A_199 = arith.constant 0 : i32
    %scan3A_200 = arith.constant 50 : i32
    %scan3A_201 = arith.addi %scan3A_199, %scan3A_200 : i32
    %scan3A_202 = arith.constant 1 : i32
    scf.for %scan3A_449 = %scan3A_199 to %scan3A_201 step %scan3A_202  : i32 {
      %mul3A_450 = arith.constant 1 : i32
      %mul3A_451 = arith.muli %scan3A_449, %mul3A_450 : i32
      %add3A_452 = arith.constant 0 : i32
      %add3A_453 = arith.addi %add3A_452, %mul3A_451 : i32
      %get3A = arith.index_cast %add3A_453 : i32 to index
      %get3A_454 = arith.constant 16 : index
      %get3A_455 = tpu.vector_load %arg5[%get3A, %get3A_454] {strides = array<i32>} : memref<50x256xi32, #tpu.memory_space<vmem>>, vector<16xi32>,
      %add3A_456 = vector.broadcast %add3A_453 : i32 to vector<16xi32>
      %add3A_457 = arith.addi %add3A_198, %add3A_456 : vector<16xi32>
      tpu.vector_store_idx %arg6[%add3A_457], %get3A_455 : memref<28672xi32, #tpu.memory_space<vmem>>[vector<16xi32>], vector<16xi32>,
    }
    %scan3A_203 = arith.constant 50 : i32
    %mul3A_204 = arith.constant 56 : i32
    %mul3A_205 = vector.broadcast %mul3A_204 : i32 to vector<16xi32>
    %mul3A_206 = arith.muli %iota3A, %mul3A_205 : vector<16xi32>
    %add3A_207 = arith.constant 16128 : i32
    %add3A_208 = vector.broadcast %add3A_207 : i32 to vector<16xi32>
    %add3A_209 = arith.addi %add3A_208, %mul3A_206 : vector<16xi32>
    %scan3A_210 = arith.constant 0 : i32
    %scan3A_211 = arith.constant 50 : i32
    %scan3A_212 = arith.addi %scan3A_210, %scan3A_211 : i32
    %scan3A_213 = arith.constant 1 : i32
    scf.for %scan3A_449 = %scan3A_210 to %scan3A_212 step %scan3A_213  : i32 {
      %mul3A_450 = arith.constant 1 : i32
      %mul3A_451 = arith.muli %scan3A_449, %mul3A_450 : i32
      %add3A_452 = arith.constant 0 : i32
      %add3A_453 = arith.addi %add3A_452, %mul3A_451 : i32
      %get3A = arith.index_cast %add3A_453 : i32 to index
      %get3A_454 = arith.constant 32 : index
      %get3A_455 = tpu.vector_load %arg5[%get3A, %get3A_454] {strides = array<i32>} : memref<50x256xi32, #tpu.memory_space<vmem>>, vector<16xi32>,
      %add3A_456 = vector.broadcast %add3A_453 : i32 to vector<16xi32>
      %add3A_457 = arith.addi %add3A_209, %add3A_456 : vector<16xi32>
      tpu.vector_store_idx %arg6[%add3A_457], %get3A_455 : memref<28672xi32, #tpu.memory_space<vmem>>[vector<16xi32>], vector<16xi32>,
    }
    %scan3A_214 = arith.constant 50 : i32
    %mul3A_215 = arith.constant 56 : i32
    %mul3A_216 = vector.broadcast %mul3A_215 : i32 to vector<16xi32>
    %mul3A_217 = arith.muli %iota3A, %mul3A_216 : vector<16xi32>
    %add3A_218 = arith.constant 17024 : i32
    %add3A_219 = vector.broadcast %add3A_218 : i32 to vector<16xi32>
    %add3A_220 = arith.addi %add3A_219, %mul3A_217 : vector<16xi32>
    %scan3A_221 = arith.constant 0 : i32
    %scan3A_222 = arith.constant 50 : i32
    %scan3A_223 = arith.addi %scan3A_221, %scan3A_222 : i32
    %scan3A_224 = arith.constant 1 : i32
    scf.for %scan3A_449 = %scan3A_221 to %scan3A_223 step %scan3A_224  : i32 {
      %mul3A_450 = arith.constant 1 : i32
      %mul3A_451 = arith.muli %scan3A_449, %mul3A_450 : i32
      %add3A_452 = arith.constant 0 : i32
      %add3A_453 = arith.addi %add3A_452, %mul3A_451 : i32
      %get3A = arith.index_cast %add3A_453 : i32 to index
      %get3A_454 = arith.constant 48 : index
      %get3A_455 = tpu.vector_load %arg5[%get3A, %get3A_454] {strides = array<i32>} : memref<50x256xi32, #tpu.memory_space<vmem>>, vector<16xi32>,
      %add3A_456 = vector.broadcast %add3A_453 : i32 to vector<16xi32>
      %add3A_457 = arith.addi %add3A_220, %add3A_456 : vector<16xi32>
      tpu.vector_store_idx %arg6[%add3A_457], %get3A_455 : memref<28672xi32, #tpu.memory_space<vmem>>[vector<16xi32>], vector<16xi32>,
    }
    %scan3A_225 = arith.constant 50 : i32
    %mul3A_226 = arith.constant 56 : i32
    %mul3A_227 = vector.broadcast %mul3A_226 : i32 to vector<16xi32>
    %mul3A_228 = arith.muli %iota3A, %mul3A_227 : vector<16xi32>
    %add3A_229 = arith.constant 17920 : i32
    %add3A_230 = vector.broadcast %add3A_229 : i32 to vector<16xi32>
    %add3A_231 = arith.addi %add3A_230, %mul3A_228 : vector<16xi32>
    %scan3A_232 = arith.constant 0 : i32
    %scan3A_233 = arith.constant 50 : i32
    %scan3A_234 = arith.addi %scan3A_232, %scan3A_233 : i32
    %scan3A_235 = arith.constant 1 : i32
    scf.for %scan3A_449 = %scan3A_232 to %scan3A_234 step %scan3A_235  : i32 {
      %mul3A_450 = arith.constant 1 : i32
      %mul3A_451 = arith.muli %scan3A_449, %mul3A_450 : i32
      %add3A_452 = arith.constant 0 : i32
      %add3A_453 = arith.addi %add3A_452, %mul3A_451 : i32
      %get3A = arith.index_cast %add3A_453 : i32 to index
      %get3A_454 = arith.constant 64 : index
      %get3A_455 = tpu.vector_load %arg5[%get3A, %get3A_454] {strides = array<i32>} : memref<50x256xi32, #tpu.memory_space<vmem>>, vector<16xi32>,
      %add3A_456 = vector.broadcast %add3A_453 : i32 to vector<16xi32>
      %add3A_457 = arith.addi %add3A_231, %add3A_456 : vector<16xi32>
      tpu.vector_store_idx %arg6[%add3A_457], %get3A_455 : memref<28672xi32, #tpu.memory_space<vmem>>[vector<16xi32>], vector<16xi32>,
    }
    %scan3A_236 = arith.constant 50 : i32
    %mul3A_237 = arith.constant 56 : i32
    %mul3A_238 = vector.broadcast %mul3A_237 : i32 to vector<16xi32>
    %mul3A_239 = arith.muli %iota3A, %mul3A_238 : vector<16xi32>
    %add3A_240 = arith.constant 18816 : i32
    %add3A_241 = vector.broadcast %add3A_240 : i32 to vector<16xi32>
    %add3A_242 = arith.addi %add3A_241, %mul3A_239 : vector<16xi32>
    %scan3A_243 = arith.constant 0 : i32
    %scan3A_244 = arith.constant 50 : i32
    %scan3A_245 = arith.addi %scan3A_243, %scan3A_244 : i32
    %scan3A_246 = arith.constant 1 : i32
    scf.for %scan3A_449 = %scan3A_243 to %scan3A_245 step %scan3A_246  : i32 {
      %mul3A_450 = arith.constant 1 : i32
      %mul3A_451 = arith.muli %scan3A_449, %mul3A_450 : i32
      %add3A_452 = arith.constant 0 : i32
      %add3A_453 = arith.addi %add3A_452, %mul3A_451 : i32
      %get3A = arith.index_cast %add3A_453 : i32 to index
      %get3A_454 = arith.constant 80 : index
      %get3A_455 = tpu.vector_load %arg5[%get3A, %get3A_454] {strides = array<i32>} : memref<50x256xi32, #tpu.memory_space<vmem>>, vector<16xi32>,
      %add3A_456 = vector.broadcast %add3A_453 : i32 to vector<16xi32>
      %add3A_457 = arith.addi %add3A_242, %add3A_456 : vector<16xi32>
      tpu.vector_store_idx %arg6[%add3A_457], %get3A_455 : memref<28672xi32, #tpu.memory_space<vmem>>[vector<16xi32>], vector<16xi32>,
    }
    %scan3A_247 = arith.constant 50 : i32
    %mul3A_248 = arith.constant 56 : i32
    %mul3A_249 = vector.broadcast %mul3A_248 : i32 to vector<16xi32>
    %mul3A_250 = arith.muli %iota3A, %mul3A_249 : vector<16xi32>
    %add3A_251 = arith.constant 19712 : i32
    %add3A_252 = vector.broadcast %add3A_251 : i32 to vector<16xi32>
    %add3A_253 = arith.addi %add3A_252, %mul3A_250 : vector<16xi32>
    %scan3A_254 = arith.constant 0 : i32
    %scan3A_255 = arith.constant 50 : i32
    %scan3A_256 = arith.addi %scan3A_254, %scan3A_255 : i32
    %scan3A_257 = arith.constant 1 : i32
    scf.for %scan3A_449 = %scan3A_254 to %scan3A_256 step %scan3A_257  : i32 {
      %mul3A_450 = arith.constant 1 : i32
      %mul3A_451 = arith.muli %scan3A_449, %mul3A_450 : i32
      %add3A_452 = arith.constant 0 : i32
      %add3A_453 = arith.addi %add3A_452, %mul3A_451 : i32
      %get3A = arith.index_cast %add3A_453 : i32 to index
      %get3A_454 = arith.constant 96 : index
      %get3A_455 = tpu.vector_load %arg5[%get3A, %get3A_454] {strides = array<i32>} : memref<50x256xi32, #tpu.memory_space<vmem>>, vector<16xi32>,
      %add3A_456 = vector.broadcast %add3A_453 : i32 to vector<16xi32>
      %add3A_457 = arith.addi %add3A_253, %add3A_456 : vector<16xi32>
      tpu.vector_store_idx %arg6[%add3A_457], %get3A_455 : memref<28672xi32, #tpu.memory_space<vmem>>[vector<16xi32>], vector<16xi32>,
    }
    %scan3A_258 = arith.constant 50 : i32
    %mul3A_259 = arith.constant 56 : i32
    %mul3A_260 = vector.broadcast %mul3A_259 : i32 to vector<16xi32>
    %mul3A_261 = arith.muli %iota3A, %mul3A_260 : vector<16xi32>
    %add3A_262 = arith.constant 20608 : i32
    %add3A_263 = vector.broadcast %add3A_262 : i32 to vector<16xi32>
    %add3A_264 = arith.addi %add3A_263, %mul3A_261 : vector<16xi32>
    %scan3A_265 = arith.constant 0 : i32
    %scan3A_266 = arith.constant 50 : i32
    %scan3A_267 = arith.addi %scan3A_265, %scan3A_266 : i32
    %scan3A_268 = arith.constant 1 : i32
    scf.for %scan3A_449 = %scan3A_265 to %scan3A_267 step %scan3A_268  : i32 {
      %mul3A_450 = arith.constant 1 : i32
      %mul3A_451 = arith.muli %scan3A_449, %mul3A_450 : i32
      %add3A_452 = arith.constant 0 : i32
      %add3A_453 = arith.addi %add3A_452, %mul3A_451 : i32
      %get3A = arith.index_cast %add3A_453 : i32 to index
      %get3A_454 = arith.constant 112 : index
      %get3A_455 = tpu.vector_load %arg5[%get3A, %get3A_454] {strides = array<i32>} : memref<50x256xi32, #tpu.memory_space<vmem>>, vector<16xi32>,
      %add3A_456 = vector.broadcast %add3A_453 : i32 to vector<16xi32>
      %add3A_457 = arith.addi %add3A_264, %add3A_456 : vector<16xi32>
      tpu.vector_store_idx %arg6[%add3A_457], %get3A_455 : memref<28672xi32, #tpu.memory_space<vmem>>[vector<16xi32>], vector<16xi32>,
    }
    %scan3A_269 = arith.constant 50 : i32
    %mul3A_270 = arith.constant 56 : i32
    %mul3A_271 = vector.broadcast %mul3A_270 : i32 to vector<16xi32>
    %mul3A_272 = arith.muli %iota3A, %mul3A_271 : vector<16xi32>
    %add3A_273 = arith.constant 21504 : i32
    %add3A_274 = vector.broadcast %add3A_273 : i32 to vector<16xi32>
    %add3A_275 = arith.addi %add3A_274, %mul3A_272 : vector<16xi32>
    %scan3A_276 = arith.constant 0 : i32
    %scan3A_277 = arith.constant 50 : i32
    %scan3A_278 = arith.addi %scan3A_276, %scan3A_277 : i32
    %scan3A_279 = arith.constant 1 : i32
    scf.for %scan3A_449 = %scan3A_276 to %scan3A_278 step %scan3A_279  : i32 {
      %mul3A_450 = arith.constant 1 : i32
      %mul3A_451 = arith.muli %scan3A_449, %mul3A_450 : i32
      %add3A_452 = arith.constant 0 : i32
      %add3A_453 = arith.addi %add3A_452, %mul3A_451 : i32
      %get3A = arith.index_cast %add3A_453 : i32 to index
      %get3A_454 = arith.constant 128 : index
      %get3A_455 = tpu.vector_load %arg5[%get3A, %get3A_454] {strides = array<i32>} : memref<50x256xi32, #tpu.memory_space<vmem>>, vector<16xi32>,
      %add3A_456 = vector.broadcast %add3A_453 : i32 to vector<16xi32>
      %add3A_457 = arith.addi %add3A_275, %add3A_456 : vector<16xi32>
      tpu.vector_store_idx %arg6[%add3A_457], %get3A_455 : memref<28672xi32, #tpu.memory_space<vmem>>[vector<16xi32>], vector<16xi32>,
    }
    %scan3A_280 = arith.constant 50 : i32
    %mul3A_281 = arith.constant 56 : i32
    %mul3A_282 = vector.broadcast %mul3A_281 : i32 to vector<16xi32>
    %mul3A_283 = arith.muli %iota3A, %mul3A_282 : vector<16xi32>
    %add3A_284 = arith.constant 22400 : i32
    %add3A_285 = vector.broadcast %add3A_284 : i32 to vector<16xi32>
    %add3A_286 = arith.addi %add3A_285, %mul3A_283 : vector<16xi32>
    %scan3A_287 = arith.constant 0 : i32
    %scan3A_288 = arith.constant 50 : i32
    %scan3A_289 = arith.addi %scan3A_287, %scan3A_288 : i32
    %scan3A_290 = arith.constant 1 : i32
    scf.for %scan3A_449 = %scan3A_287 to %scan3A_289 step %scan3A_290  : i32 {
      %mul3A_450 = arith.constant 1 : i32
      %mul3A_451 = arith.muli %scan3A_449, %mul3A_450 : i32
      %add3A_452 = arith.constant 0 : i32
      %add3A_453 = arith.addi %add3A_452, %mul3A_451 : i32
      %get3A = arith.index_cast %add3A_453 : i32 to index
      %get3A_454 = arith.constant 144 : index
      %get3A_455 = tpu.vector_load %arg5[%get3A, %get3A_454] {strides = array<i32>} : memref<50x256xi32, #tpu.memory_space<vmem>>, vector<16xi32>,
      %add3A_456 = vector.broadcast %add3A_453 : i32 to vector<16xi32>
      %add3A_457 = arith.addi %add3A_286, %add3A_456 : vector<16xi32>
      tpu.vector_store_idx %arg6[%add3A_457], %get3A_455 : memref<28672xi32, #tpu.memory_space<vmem>>[vector<16xi32>], vector<16xi32>,
    }
    %scan3A_291 = arith.constant 50 : i32
    %mul3A_292 = arith.constant 56 : i32
    %mul3A_293 = vector.broadcast %mul3A_292 : i32 to vector<16xi32>
    %mul3A_294 = arith.muli %iota3A, %mul3A_293 : vector<16xi32>
    %add3A_295 = arith.constant 23296 : i32
    %add3A_296 = vector.broadcast %add3A_295 : i32 to vector<16xi32>
    %add3A_297 = arith.addi %add3A_296, %mul3A_294 : vector<16xi32>
    %scan3A_298 = arith.constant 0 : i32
    %scan3A_299 = arith.constant 50 : i32
    %scan3A_300 = arith.addi %scan3A_298, %scan3A_299 : i32
    %scan3A_301 = arith.constant 1 : i32
    scf.for %scan3A_449 = %scan3A_298 to %scan3A_300 step %scan3A_301  : i32 {
      %mul3A_450 = arith.constant 1 : i32
      %mul3A_451 = arith.muli %scan3A_449, %mul3A_450 : i32
      %add3A_452 = arith.constant 0 : i32
      %add3A_453 = arith.addi %add3A_452, %mul3A_451 : i32
      %get3A = arith.index_cast %add3A_453 : i32 to index
      %get3A_454 = arith.constant 160 : index
      %get3A_455 = tpu.vector_load %arg5[%get3A, %get3A_454] {strides = array<i32>} : memref<50x256xi32, #tpu.memory_space<vmem>>, vector<16xi32>,
      %add3A_456 = vector.broadcast %add3A_453 : i32 to vector<16xi32>
      %add3A_457 = arith.addi %add3A_297, %add3A_456 : vector<16xi32>
      tpu.vector_store_idx %arg6[%add3A_457], %get3A_455 : memref<28672xi32, #tpu.memory_space<vmem>>[vector<16xi32>], vector<16xi32>,
    }
    %scan3A_302 = arith.constant 50 : i32
    %mul3A_303 = arith.constant 56 : i32
    %mul3A_304 = vector.broadcast %mul3A_303 : i32 to vector<16xi32>
    %mul3A_305 = arith.muli %iota3A, %mul3A_304 : vector<16xi32>
    %add3A_306 = arith.constant 24192 : i32
    %add3A_307 = vector.broadcast %add3A_306 : i32 to vector<16xi32>
    %add3A_308 = arith.addi %add3A_307, %mul3A_305 : vector<16xi32>
    %scan3A_309 = arith.constant 0 : i32
    %scan3A_310 = arith.constant 50 : i32
    %scan3A_311 = arith.addi %scan3A_309, %scan3A_310 : i32
    %scan3A_312 = arith.constant 1 : i32
    scf.for %scan3A_449 = %scan3A_309 to %scan3A_311 step %scan3A_312  : i32 {
      %mul3A_450 = arith.constant 1 : i32
      %mul3A_451 = arith.muli %scan3A_449, %mul3A_450 : i32
      %add3A_452 = arith.constant 0 : i32
      %add3A_453 = arith.addi %add3A_452, %mul3A_451 : i32
      %get3A = arith.index_cast %add3A_453 : i32 to index
      %get3A_454 = arith.constant 176 : index
      %get3A_455 = tpu.vector_load %arg5[%get3A, %get3A_454] {strides = array<i32>} : memref<50x256xi32, #tpu.memory_space<vmem>>, vector<16xi32>,
      %add3A_456 = vector.broadcast %add3A_453 : i32 to vector<16xi32>
      %add3A_457 = arith.addi %add3A_308, %add3A_456 : vector<16xi32>
      tpu.vector_store_idx %arg6[%add3A_457], %get3A_455 : memref<28672xi32, #tpu.memory_space<vmem>>[vector<16xi32>], vector<16xi32>,
    }
    %scan3A_313 = arith.constant 50 : i32
    %mul3A_314 = arith.constant 56 : i32
    %mul3A_315 = vector.broadcast %mul3A_314 : i32 to vector<16xi32>
    %mul3A_316 = arith.muli %iota3A, %mul3A_315 : vector<16xi32>
    %add3A_317 = arith.constant 25088 : i32
    %add3A_318 = vector.broadcast %add3A_317 : i32 to vector<16xi32>
    %add3A_319 = arith.addi %add3A_318, %mul3A_316 : vector<16xi32>
    %scan3A_320 = arith.constant 0 : i32
    %scan3A_321 = arith.constant 50 : i32
    %scan3A_322 = arith.addi %scan3A_320, %scan3A_321 : i32
    %scan3A_323 = arith.constant 1 : i32
    scf.for %scan3A_449 = %scan3A_320 to %scan3A_322 step %scan3A_323  : i32 {
      %mul3A_450 = arith.constant 1 : i32
      %mul3A_451 = arith.muli %scan3A_449, %mul3A_450 : i32
      %add3A_452 = arith.constant 0 : i32
      %add3A_453 = arith.addi %add3A_452, %mul3A_451 : i32
      %get3A = arith.index_cast %add3A_453 : i32 to index
      %get3A_454 = arith.constant 192 : index
      %get3A_455 = tpu.vector_load %arg5[%get3A, %get3A_454] {strides = array<i32>} : memref<50x256xi32, #tpu.memory_space<vmem>>, vector<16xi32>,
      %add3A_456 = vector.broadcast %add3A_453 : i32 to vector<16xi32>
      %add3A_457 = arith.addi %add3A_319, %add3A_456 : vector<16xi32>
      tpu.vector_store_idx %arg6[%add3A_457], %get3A_455 : memref<28672xi32, #tpu.memory_space<vmem>>[vector<16xi32>], vector<16xi32>,
    }
    %scan3A_324 = arith.constant 50 : i32
    %mul3A_325 = arith.constant 56 : i32
    %mul3A_326 = vector.broadcast %mul3A_325 : i32 to vector<16xi32>
    %mul3A_327 = arith.muli %iota3A, %mul3A_326 : vector<16xi32>
    %add3A_328 = arith.constant 25984 : i32
    %add3A_329 = vector.broadcast %add3A_328 : i32 to vector<16xi32>
    %add3A_330 = arith.addi %add3A_329, %mul3A_327 : vector<16xi32>
    %scan3A_331 = arith.constant 0 : i32
    %scan3A_332 = arith.constant 50 : i32
    %scan3A_333 = arith.addi %scan3A_331, %scan3A_332 : i32
    %scan3A_334 = arith.constant 1 : i32
    scf.for %scan3A_449 = %scan3A_331 to %scan3A_333 step %scan3A_334  : i32 {
      %mul3A_450 = arith.constant 1 : i32
      %mul3A_451 = arith.muli %scan3A_449, %mul3A_450 : i32
      %add3A_452 = arith.constant 0 : i32
      %add3A_453 = arith.addi %add3A_452, %mul3A_451 : i32
      %get3A = arith.index_cast %add3A_453 : i32 to index
      %get3A_454 = arith.constant 208 : index
      %get3A_455 = tpu.vector_load %arg5[%get3A, %get3A_454] {strides = array<i32>} : memref<50x256xi32, #tpu.memory_space<vmem>>, vector<16xi32>,
      %add3A_456 = vector.broadcast %add3A_453 : i32 to vector<16xi32>
      %add3A_457 = arith.addi %add3A_330, %add3A_456 : vector<16xi32>
      tpu.vector_store_idx %arg6[%add3A_457], %get3A_455 : memref<28672xi32, #tpu.memory_space<vmem>>[vector<16xi32>], vector<16xi32>,
    }
    %scan3A_335 = arith.constant 50 : i32
    %mul3A_336 = arith.constant 56 : i32
    %mul3A_337 = vector.broadcast %mul3A_336 : i32 to vector<16xi32>
    %mul3A_338 = arith.muli %iota3A, %mul3A_337 : vector<16xi32>
    %add3A_339 = arith.constant 26880 : i32
    %add3A_340 = vector.broadcast %add3A_339 : i32 to vector<16xi32>
    %add3A_341 = arith.addi %add3A_340, %mul3A_338 : vector<16xi32>
    %scan3A_342 = arith.constant 0 : i32
    %scan3A_343 = arith.constant 50 : i32
    %scan3A_344 = arith.addi %scan3A_342, %scan3A_343 : i32
    %scan3A_345 = arith.constant 1 : i32
    scf.for %scan3A_449 = %scan3A_342 to %scan3A_344 step %scan3A_345  : i32 {
      %mul3A_450 = arith.constant 1 : i32
      %mul3A_451 = arith.muli %scan3A_449, %mul3A_450 : i32
      %add3A_452 = arith.constant 0 : i32
      %add3A_453 = arith.addi %add3A_452, %mul3A_451 : i32
      %get3A = arith.index_cast %add3A_453 : i32 to index
      %get3A_454 = arith.constant 224 : index
      %get3A_455 = tpu.vector_load %arg5[%get3A, %get3A_454] {strides = array<i32>} : memref<50x256xi32, #tpu.memory_space<vmem>>, vector<16xi32>,
      %add3A_456 = vector.broadcast %add3A_453 : i32 to vector<16xi32>
      %add3A_457 = arith.addi %add3A_341, %add3A_456 : vector<16xi32>
      tpu.vector_store_idx %arg6[%add3A_457], %get3A_455 : memref<28672xi32, #tpu.memory_space<vmem>>[vector<16xi32>], vector<16xi32>,
    }
    %scan3A_346 = arith.constant 50 : i32
    %mul3A_347 = arith.constant 56 : i32
    %mul3A_348 = vector.broadcast %mul3A_347 : i32 to vector<16xi32>
    %mul3A_349 = arith.muli %iota3A, %mul3A_348 : vector<16xi32>
    %add3A_350 = arith.constant 27776 : i32
    %add3A_351 = vector.broadcast %add3A_350 : i32 to vector<16xi32>
    %add3A_352 = arith.addi %add3A_351, %mul3A_349 : vector<16xi32>
    %scan3A_353 = arith.constant 0 : i32
    %scan3A_354 = arith.constant 50 : i32
    %scan3A_355 = arith.addi %scan3A_353, %scan3A_354 : i32
    %scan3A_356 = arith.constant 1 : i32
    scf.for %scan3A_449 = %scan3A_353 to %scan3A_355 step %scan3A_356  : i32 {
      %mul3A_450 = arith.constant 1 : i32
      %mul3A_451 = arith.muli %scan3A_449, %mul3A_450 : i32
      %add3A_452 = arith.constant 0 : i32
      %add3A_453 = arith.addi %add3A_452, %mul3A_451 : i32
      %get3A = arith.index_cast %add3A_453 : i32 to index
      %get3A_454 = arith.constant 240 : index
      %get3A_455 = tpu.vector_load %arg5[%get3A, %get3A_454] {strides = array<i32>} : memref<50x256xi32, #tpu.memory_space<vmem>>, vector<16xi32>,
      %add3A_456 = vector.broadcast %add3A_453 : i32 to vector<16xi32>
      %add3A_457 = arith.addi %add3A_352, %add3A_456 : vector<16xi32>
      tpu.vector_store_idx %arg6[%add3A_457], %get3A_455 : memref<28672xi32, #tpu.memory_space<vmem>>[vector<16xi32>], vector<16xi32>,
    }
    %scan3A_357 = arith.constant 50 : i32
    %multiple_of3A = arith.constant 0 : i32
    %multiple_of3A_358 = tpu.assume_multiple %multiple_of3A, 8 : i32
    %dma_start3A = arith.constant 0 : i32
    %dma_start3A_359 = arith.constant 0 : i32
    %dma_start3A_360 = arith.constant 0 : i32
    %dma_start3A_361 = tpu.memref_slice %arg7[%dma_start3A, %dma_start3A_359, %dma_start3A_360] : memref<8x50x64xf32, #tpu.memory_space<vmem>> -> memref<1x50x64xf32, #tpu.memory_space<vmem>>
    %dma_start3A_362 = tpu.memref_squeeze %dma_start3A_361 : memref<1x50x64xf32, #tpu.memory_space<vmem>> -> memref<50x64xf32, #tpu.memory_space<vmem>>
    %dma_start3A_363 = tpu.memref_slice %arg6[%multiple_of3A_358] : memref<28672xi32, #tpu.memory_space<vmem>> -> memref<50xi32, #tpu.memory_space<vmem>>
    %dma_start3A_364 = arith.constant 0 : i32
    %dma_start3A_365 = arith.constant 0 : i32
    %dma_start3A_366 = tpu.memref_slice %arg3[%dma_start3A_364, %dma_start3A_365] : memref<1000000x64xf32, #tpu.memory_space<hbm>> -> memref<1000000x64xf32, #tpu.memory_space<hbm>>
    tpu.enqueue_indirect_dma source(%dma_start3A_366 : memref<1000000x64xf32, #tpu.memory_space<hbm>>) target(%dma_start3A_362 : memref<50x64xf32, #tpu.memory_space<vmem>>) offsets(%dma_start3A_363 : memref<50xi32, #tpu.memory_space<vmem>>) semaphore(%arg9 : memref<!tpu.dma_semaphore, #tpu.memory_space<semaphore_mem>>)
    %multiple_of3A_367 = arith.constant 56 : i32
    %multiple_of3A_368 = tpu.assume_multiple %multiple_of3A_367, 8 : i32
    %dma_start3A_369 = arith.constant 1 : i32
    %dma_start3A_370 = arith.constant 0 : i32
    %dma_start3A_371 = arith.constant 0 : i32
    %dma_start3A_372 = tpu.memref_slice %arg7[%dma_start3A_369, %dma_start3A_370, %dma_start3A_371] : memref<8x50x64xf32, #tpu.memory_space<vmem>> -> memref<1x50x64xf32, #tpu.memory_space<vmem>>
    %dma_start3A_373 = tpu.memref_squeeze %dma_start3A_372 : memref<1x50x64xf32, #tpu.memory_space<vmem>> -> memref<50x64xf32, #tpu.memory_space<vmem>>
    %dma_start3A_374 = tpu.memref_slice %arg6[%multiple_of3A_368] : memref<28672xi32, #tpu.memory_space<vmem>> -> memref<50xi32, #tpu.memory_space<vmem>>
    %dma_start3A_375 = arith.constant 0 : i32
    %dma_start3A_376 = arith.constant 0 : i32
    %dma_start3A_377 = tpu.memref_slice %arg3[%dma_start3A_375, %dma_start3A_376] : memref<1000000x64xf32, #tpu.memory_space<hbm>> -> memref<1000000x64xf32, #tpu.memory_space<hbm>>
    tpu.enqueue_indirect_dma source(%dma_start3A_377 : memref<1000000x64xf32, #tpu.memory_space<hbm>>) target(%dma_start3A_373 : memref<50x64xf32, #tpu.memory_space<vmem>>) offsets(%dma_start3A_374 : memref<50xi32, #tpu.memory_space<vmem>>) semaphore(%arg9 : memref<!tpu.dma_semaphore, #tpu.memory_space<semaphore_mem>>)
    %multiple_of3A_378 = arith.constant 112 : i32
    %multiple_of3A_379 = tpu.assume_multiple %multiple_of3A_378, 8 : i32
    %dma_start3A_380 = arith.constant 2 : i32
    %dma_start3A_381 = arith.constant 0 : i32
    %dma_start3A_382 = arith.constant 0 : i32
    %dma_start3A_383 = tpu.memref_slice %arg7[%dma_start3A_380, %dma_start3A_381, %dma_start3A_382] : memref<8x50x64xf32, #tpu.memory_space<vmem>> -> memref<1x50x64xf32, #tpu.memory_space<vmem>>
    %dma_start3A_384 = tpu.memref_squeeze %dma_start3A_383 : memref<1x50x64xf32, #tpu.memory_space<vmem>> -> memref<50x64xf32, #tpu.memory_space<vmem>>
    %dma_start3A_385 = tpu.memref_slice %arg6[%multiple_of3A_379] : memref<28672xi32, #tpu.memory_space<vmem>> -> memref<50xi32, #tpu.memory_space<vmem>>
    %dma_start3A_386 = arith.constant 0 : i32
    %dma_start3A_387 = arith.constant 0 : i32
    %dma_start3A_388 = tpu.memref_slice %arg3[%dma_start3A_386, %dma_start3A_387] : memref<1000000x64xf32, #tpu.memory_space<hbm>> -> memref<1000000x64xf32, #tpu.memory_space<hbm>>
    tpu.enqueue_indirect_dma source(%dma_start3A_388 : memref<1000000x64xf32, #tpu.memory_space<hbm>>) target(%dma_start3A_384 : memref<50x64xf32, #tpu.memory_space<vmem>>) offsets(%dma_start3A_385 : memref<50xi32, #tpu.memory_space<vmem>>) semaphore(%arg9 : memref<!tpu.dma_semaphore, #tpu.memory_space<semaphore_mem>>)
    %multiple_of3A_389 = arith.constant 168 : i32
    %multiple_of3A_390 = tpu.assume_multiple %multiple_of3A_389, 8 : i32
    %dma_start3A_391 = arith.constant 3 : i32
    %dma_start3A_392 = arith.constant 0 : i32
    %dma_start3A_393 = arith.constant 0 : i32
    %dma_start3A_394 = tpu.memref_slice %arg7[%dma_start3A_391, %dma_start3A_392, %dma_start3A_393] : memref<8x50x64xf32, #tpu.memory_space<vmem>> -> memref<1x50x64xf32, #tpu.memory_space<vmem>>
    %dma_start3A_395 = tpu.memref_squeeze %dma_start3A_394 : memref<1x50x64xf32, #tpu.memory_space<vmem>> -> memref<50x64xf32, #tpu.memory_space<vmem>>
    %dma_start3A_396 = tpu.memref_slice %arg6[%multiple_of3A_390] : memref<28672xi32, #tpu.memory_space<vmem>> -> memref<50xi32, #tpu.memory_space<vmem>>
    %dma_start3A_397 = arith.constant 0 : i32
    %dma_start3A_398 = arith.constant 0 : i32
    %dma_start3A_399 = tpu.memref_slice %arg3[%dma_start3A_397, %dma_start3A_398] : memref<1000000x64xf32, #tpu.memory_space<hbm>> -> memref<1000000x64xf32, #tpu.memory_space<hbm>>
    tpu.enqueue_indirect_dma source(%dma_start3A_399 : memref<1000000x64xf32, #tpu.memory_space<hbm>>) target(%dma_start3A_395 : memref<50x64xf32, #tpu.memory_space<vmem>>) offsets(%dma_start3A_396 : memref<50xi32, #tpu.memory_space<vmem>>) semaphore(%arg9 : memref<!tpu.dma_semaphore, #tpu.memory_space<semaphore_mem>>)
    %multiple_of3A_400 = arith.constant 224 : i32
    %multiple_of3A_401 = tpu.assume_multiple %multiple_of3A_400, 8 : i32
    %dma_start3A_402 = arith.constant 4 : i32
    %dma_start3A_403 = arith.constant 0 : i32
    %dma_start3A_404 = arith.constant 0 : i32
    %dma_start3A_405 = tpu.memref_slice %arg7[%dma_start3A_402, %dma_start3A_403, %dma_start3A_404] : memref<8x50x64xf32, #tpu.memory_space<vmem>> -> memref<1x50x64xf32, #tpu.memory_space<vmem>>
    %dma_start3A_406 = tpu.memref_squeeze %dma_start3A_405 : memref<1x50x64xf32, #tpu.memory_space<vmem>> -> memref<50x64xf32, #tpu.memory_space<vmem>>
    %dma_start3A_407 = tpu.memref_slice %arg6[%multiple_of3A_401] : memref<28672xi32, #tpu.memory_space<vmem>> -> memref<50xi32, #tpu.memory_space<vmem>>
    %dma_start3A_408 = arith.constant 0 : i32
    %dma_start3A_409 = arith.constant 0 : i32
    %dma_start3A_410 = tpu.memref_slice %arg3[%dma_start3A_408, %dma_start3A_409] : memref<1000000x64xf32, #tpu.memory_space<hbm>> -> memref<1000000x64xf32, #tpu.memory_space<hbm>>
    tpu.enqueue_indirect_dma source(%dma_start3A_410 : memref<1000000x64xf32, #tpu.memory_space<hbm>>) target(%dma_start3A_406 : memref<50x64xf32, #tpu.memory_space<vmem>>) offsets(%dma_start3A_407 : memref<50xi32, #tpu.memory_space<vmem>>) semaphore(%arg9 : memref<!tpu.dma_semaphore, #tpu.memory_space<semaphore_mem>>)
    %multiple_of3A_411 = arith.constant 280 : i32
    %multiple_of3A_412 = tpu.assume_multiple %multiple_of3A_411, 8 : i32
    %dma_start3A_413 = arith.constant 5 : i32
    %dma_start3A_414 = arith.constant 0 : i32
    %dma_start3A_415 = arith.constant 0 : i32
    %dma_start3A_416 = tpu.memref_slice %arg7[%dma_start3A_413, %dma_start3A_414, %dma_start3A_415] : memref<8x50x64xf32, #tpu.memory_space<vmem>> -> memref<1x50x64xf32, #tpu.memory_space<vmem>>
    %dma_start3A_417 = tpu.memref_squeeze %dma_start3A_416 : memref<1x50x64xf32, #tpu.memory_space<vmem>> -> memref<50x64xf32, #tpu.memory_space<vmem>>
    %dma_start3A_418 = tpu.memref_slice %arg6[%multiple_of3A_412] : memref<28672xi32, #tpu.memory_space<vmem>> -> memref<50xi32, #tpu.memory_space<vmem>>
    %dma_start3A_419 = arith.constant 0 : i32
    %dma_start3A_420 = arith.constant 0 : i32
    %dma_start3A_421 = tpu.memref_slice %arg3[%dma_start3A_419, %dma_start3A_420] : memref<1000000x64xf32, #tpu.memory_space<hbm>> -> memref<1000000x64xf32, #tpu.memory_space<hbm>>
    tpu.enqueue_indirect_dma source(%dma_start3A_421 : memref<1000000x64xf32, #tpu.memory_space<hbm>>) target(%dma_start3A_417 : memref<50x64xf32, #tpu.memory_space<vmem>>) offsets(%dma_start3A_418 : memref<50xi32, #tpu.memory_space<vmem>>) semaphore(%arg9 : memref<!tpu.dma_semaphore, #tpu.memory_space<semaphore_mem>>)
    %multiple_of3A_422 = arith.constant 336 : i32
    %multiple_of3A_423 = tpu.assume_multiple %multiple_of3A_422, 8 : i32
    %dma_start3A_424 = arith.constant 6 : i32
    %dma_start3A_425 = arith.constant 0 : i32
    %dma_start3A_426 = arith.constant 0 : i32
    %dma_start3A_427 = tpu.memref_slice %arg7[%dma_start3A_424, %dma_start3A_425, %dma_start3A_426] : memref<8x50x64xf32, #tpu.memory_space<vmem>> -> memref<1x50x64xf32, #tpu.memory_space<vmem>>
    %dma_start3A_428 = tpu.memref_squeeze %dma_start3A_427 : memref<1x50x64xf32, #tpu.memory_space<vmem>> -> memref<50x64xf32, #tpu.memory_space<vmem>>
    %dma_start3A_429 = tpu.memref_slice %arg6[%multiple_of3A_423] : memref<28672xi32, #tpu.memory_space<vmem>> -> memref<50xi32, #tpu.memory_space<vmem>>
    %dma_start3A_430 = arith.constant 0 : i32
    %dma_start3A_431 = arith.constant 0 : i32
    %dma_start3A_432 = tpu.memref_slice %arg3[%dma_start3A_430, %dma_start3A_431] : memref<1000000x64xf32, #tpu.memory_space<hbm>> -> memref<1000000x64xf32, #tpu.memory_space<hbm>>
    tpu.enqueue_indirect_dma source(%dma_start3A_432 : memref<1000000x64xf32, #tpu.memory_space<hbm>>) target(%dma_start3A_428 : memref<50x64xf32, #tpu.memory_space<vmem>>) offsets(%dma_start3A_429 : memref<50xi32, #tpu.memory_space<vmem>>) semaphore(%arg9 : memref<!tpu.dma_semaphore, #tpu.memory_space<semaphore_mem>>)
    %multiple_of3A_433 = arith.constant 392 : i32
    %multiple_of3A_434 = tpu.assume_multiple %multiple_of3A_433, 8 : i32
    %dma_start3A_435 = arith.constant 7 : i32
    %dma_start3A_436 = arith.constant 0 : i32
    %dma_start3A_437 = arith.constant 0 : i32
    %dma_start3A_438 = tpu.memref_slice %arg7[%dma_start3A_435, %dma_start3A_436, %dma_start3A_437] : memref<8x50x64xf32, #tpu.memory_space<vmem>> -> memref<1x50x64xf32, #tpu.memory_space<vmem>>
    %dma_start3A_439 = tpu.memref_squeeze %dma_start3A_438 : memref<1x50x64xf32, #tpu.memory_space<vmem>> -> memref<50x64xf32, #tpu.memory_space<vmem>>
    %dma_start3A_440 = tpu.memref_slice %arg6[%multiple_of3A_434] : memref<28672xi32, #tpu.memory_space<vmem>> -> memref<50xi32, #tpu.memory_space<vmem>>
    %dma_start3A_441 = arith.constant 0 : i32
    %dma_start3A_442 = arith.constant 0 : i32
    %dma_start3A_443 = tpu.memref_slice %arg3[%dma_start3A_441, %dma_start3A_442] : memref<1000000x64xf32, #tpu.memory_space<hbm>> -> memref<1000000x64xf32, #tpu.memory_space<hbm>>
    tpu.enqueue_indirect_dma source(%dma_start3A_443 : memref<1000000x64xf32, #tpu.memory_space<hbm>>) target(%dma_start3A_439 : memref<50x64xf32, #tpu.memory_space<vmem>>) offsets(%dma_start3A_440 : memref<50xi32, #tpu.memory_space<vmem>>) semaphore(%arg9 : memref<!tpu.dma_semaphore, #tpu.memory_space<semaphore_mem>>)
    %scan3A_444 = arith.constant 0 : i32
    %scan3A_445 = arith.constant 32 : i32
    %scan3A_446 = arith.addi %scan3A_444, %scan3A_445 : i32
    %scan3A_447 = arith.constant 1 : i32
    scf.for %scan3A_449 = %scan3A_444 to %scan3A_446 step %scan3A_447  : i32 {
      %mul3A_450 = arith.constant 2 : i32
      %mul3A_451 = arith.muli %scan3A_449, %mul3A_450 : i32
      %add3A_452 = arith.constant 0 : i32
      %add3A_453 = arith.addi %add3A_452, %mul3A_451 : i32
      %add3A_454 = arith.constant 0 : i32
      %add3A_455 = arith.addi %add3A_453, %add3A_454 : i32
      %add3A_456 = arith.constant 1 : i32
      %add3A_457 = arith.addi %add3A_455, %add3A_456 : i32
      %lt3A = arith.constant 64 : i32
      %lt3A_458 = arith.cmpi slt, %add3A_457, %lt3A : i32
      %convert_element_type3A = arith.extui %lt3A_458 : i1 to i32
      %cond3A = arith.constant 0 : i32
      %cond3A_459 = arith.cmpi ne, %convert_element_type3A, %cond3A : i32
      scf.if %cond3A_459 {
        %add3A_634 = arith.constant 1 : i32
        %add3A_635 = arith.addi %add3A_455, %add3A_634 : i32
        %mul3A_636 = arith.constant 8 : i32
        %mul3A_637 = arith.muli %add3A_635, %mul3A_636 : i32
        %add3A_638 = arith.constant 0 : i32
        %add3A_639 = arith.addi %mul3A_637, %add3A_638 : i32
        %mul3A_640 = arith.constant 56 : i32
        %mul3A_641 = arith.muli %add3A_639, %mul3A_640 : i32
        %multiple_of3A_642 = tpu.assume_multiple %mul3A_641, 8 : i32
        %dma_start3A_643 = arith.constant 0 : i32
        %dma_start3A_644 = arith.constant 0 : i32
        %dma_start3A_645 = arith.constant 0 : i32
        %dma_start3A_646 = tpu.memref_slice %arg8[%dma_start3A_643, %dma_start3A_644, %dma_start3A_645] : memref<8x50x64xf32, #tpu.memory_space<vmem>> -> memref<1x50x64xf32, #tpu.memory_space<vmem>>
        %dma_start3A_647 = tpu.memref_squeeze %dma_start3A_646 : memref<1x50x64xf32, #tpu.memory_space<vmem>> -> memref<50x64xf32, #tpu.memory_space<vmem>>
        %dma_start3A_648 = tpu.memref_slice %arg6[%multiple_of3A_642] : memref<28672xi32, #tpu.memory_space<vmem>> -> memref<50xi32, #tpu.memory_space<vmem>>
        %dma_start3A_649 = arith.constant 0 : i32
        %dma_start3A_650 = arith.constant 0 : i32
        %dma_start3A_651 = tpu.memref_slice %arg3[%dma_start3A_649, %dma_start3A_650] : memref<1000000x64xf32, #tpu.memory_space<hbm>> -> memref<1000000x64xf32, #tpu.memory_space<hbm>>
        tpu.enqueue_indirect_dma source(%dma_start3A_651 : memref<1000000x64xf32, #tpu.memory_space<hbm>>) target(%dma_start3A_647 : memref<50x64xf32, #tpu.memory_space<vmem>>) offsets(%dma_start3A_648 : memref<50xi32, #tpu.memory_space<vmem>>) semaphore(%arg10 : memref<!tpu.dma_semaphore, #tpu.memory_space<semaphore_mem>>)
        %mul3A_652 = arith.constant 8 : i32
        %mul3A_653 = arith.muli %add3A_635, %mul3A_652 : i32
        %add3A_654 = arith.constant 1 : i32
        %add3A_655 = arith.addi %mul3A_653, %add3A_654 : i32
        %mul3A_656 = arith.constant 56 : i32
        %mul3A_657 = arith.muli %add3A_655, %mul3A_656 : i32
        %multiple_of3A_658 = tpu.assume_multiple %mul3A_657, 8 : i32
        %dma_start3A_659 = arith.constant 1 : i32
        %dma_start3A_660 = arith.constant 0 : i32
        %dma_start3A_661 = arith.constant 0 : i32
        %dma_start3A_662 = tpu.memref_slice %arg8[%dma_start3A_659, %dma_start3A_660, %dma_start3A_661] : memref<8x50x64xf32, #tpu.memory_space<vmem>> -> memref<1x50x64xf32, #tpu.memory_space<vmem>>
        %dma_start3A_663 = tpu.memref_squeeze %dma_start3A_662 : memref<1x50x64xf32, #tpu.memory_space<vmem>> -> memref<50x64xf32, #tpu.memory_space<vmem>>
        %dma_start3A_664 = tpu.memref_slice %arg6[%multiple_of3A_658] : memref<28672xi32, #tpu.memory_space<vmem>> -> memref<50xi32, #tpu.memory_space<vmem>>
        %dma_start3A_665 = arith.constant 0 : i32
        %dma_start3A_666 = arith.constant 0 : i32
        %dma_start3A_667 = tpu.memref_slice %arg3[%dma_start3A_665, %dma_start3A_666] : memref<1000000x64xf32, #tpu.memory_space<hbm>> -> memref<1000000x64xf32, #tpu.memory_space<hbm>>
        tpu.enqueue_indirect_dma source(%dma_start3A_667 : memref<1000000x64xf32, #tpu.memory_space<hbm>>) target(%dma_start3A_663 : memref<50x64xf32, #tpu.memory_space<vmem>>) offsets(%dma_start3A_664 : memref<50xi32, #tpu.memory_space<vmem>>) semaphore(%arg10 : memref<!tpu.dma_semaphore, #tpu.memory_space<semaphore_mem>>)
        %mul3A_668 = arith.constant 8 : i32
        %mul3A_669 = arith.muli %add3A_635, %mul3A_668 : i32
        %add3A_670 = arith.constant 2 : i32
        %add3A_671 = arith.addi %mul3A_669, %add3A_670 : i32
        %mul3A_672 = arith.constant 56 : i32
        %mul3A_673 = arith.muli %add3A_671, %mul3A_672 : i32
        %multiple_of3A_674 = tpu.assume_multiple %mul3A_673, 8 : i32
        %dma_start3A_675 = arith.constant 2 : i32
        %dma_start3A_676 = arith.constant 0 : i32
        %dma_start3A_677 = arith.constant 0 : i32
        %dma_start3A_678 = tpu.memref_slice %arg8[%dma_start3A_675, %dma_start3A_676, %dma_start3A_677] : memref<8x50x64xf32, #tpu.memory_space<vmem>> -> memref<1x50x64xf32, #tpu.memory_space<vmem>>
        %dma_start3A_679 = tpu.memref_squeeze %dma_start3A_678 : memref<1x50x64xf32, #tpu.memory_space<vmem>> -> memref<50x64xf32, #tpu.memory_space<vmem>>
        %dma_start3A_680 = tpu.memref_slice %arg6[%multiple_of3A_674] : memref<28672xi32, #tpu.memory_space<vmem>> -> memref<50xi32, #tpu.memory_space<vmem>>
        %dma_start3A_681 = arith.constant 0 : i32
        %dma_start3A_682 = arith.constant 0 : i32
        %dma_start3A_683 = tpu.memref_slice %arg3[%dma_start3A_681, %dma_start3A_682] : memref<1000000x64xf32, #tpu.memory_space<hbm>> -> memref<1000000x64xf32, #tpu.memory_space<hbm>>
        tpu.enqueue_indirect_dma source(%dma_start3A_683 : memref<1000000x64xf32, #tpu.memory_space<hbm>>) target(%dma_start3A_679 : memref<50x64xf32, #tpu.memory_space<vmem>>) offsets(%dma_start3A_680 : memref<50xi32, #tpu.memory_space<vmem>>) semaphore(%arg10 : memref<!tpu.dma_semaphore, #tpu.memory_space<semaphore_mem>>)
        %mul3A_684 = arith.constant 8 : i32
        %mul3A_685 = arith.muli %add3A_635, %mul3A_684 : i32
        %add3A_686 = arith.constant 3 : i32
        %add3A_687 = arith.addi %mul3A_685, %add3A_686 : i32
        %mul3A_688 = arith.constant 56 : i32
        %mul3A_689 = arith.muli %add3A_687, %mul3A_688 : i32
        %multiple_of3A_690 = tpu.assume_multiple %mul3A_689, 8 : i32
        %dma_start3A_691 = arith.constant 3 : i32
        %dma_start3A_692 = arith.constant 0 : i32
        %dma_start3A_693 = arith.constant 0 : i32
        %dma_start3A_694 = tpu.memref_slice %arg8[%dma_start3A_691, %dma_start3A_692, %dma_start3A_693] : memref<8x50x64xf32, #tpu.memory_space<vmem>> -> memref<1x50x64xf32, #tpu.memory_space<vmem>>
        %dma_start3A_695 = tpu.memref_squeeze %dma_start3A_694 : memref<1x50x64xf32, #tpu.memory_space<vmem>> -> memref<50x64xf32, #tpu.memory_space<vmem>>
        %dma_start3A_696 = tpu.memref_slice %arg6[%multiple_of3A_690] : memref<28672xi32, #tpu.memory_space<vmem>> -> memref<50xi32, #tpu.memory_space<vmem>>
        %dma_start3A_697 = arith.constant 0 : i32
        %dma_start3A_698 = arith.constant 0 : i32
        %dma_start3A_699 = tpu.memref_slice %arg3[%dma_start3A_697, %dma_start3A_698] : memref<1000000x64xf32, #tpu.memory_space<hbm>> -> memref<1000000x64xf32, #tpu.memory_space<hbm>>
        tpu.enqueue_indirect_dma source(%dma_start3A_699 : memref<1000000x64xf32, #tpu.memory_space<hbm>>) target(%dma_start3A_695 : memref<50x64xf32, #tpu.memory_space<vmem>>) offsets(%dma_start3A_696 : memref<50xi32, #tpu.memory_space<vmem>>) semaphore(%arg10 : memref<!tpu.dma_semaphore, #tpu.memory_space<semaphore_mem>>)
        %mul3A_700 = arith.constant 8 : i32
        %mul3A_701 = arith.muli %add3A_635, %mul3A_700 : i32
        %add3A_702 = arith.constant 4 : i32
        %add3A_703 = arith.addi %mul3A_701, %add3A_702 : i32
        %mul3A_704 = arith.constant 56 : i32
        %mul3A_705 = arith.muli %add3A_703, %mul3A_704 : i32
        %multiple_of3A_706 = tpu.assume_multiple %mul3A_705, 8 : i32
        %dma_start3A_707 = arith.constant 4 : i32
        %dma_start3A_708 = arith.constant 0 : i32
        %dma_start3A_709 = arith.constant 0 : i32
        %dma_start3A_710 = tpu.memref_slice %arg8[%dma_start3A_707, %dma_start3A_708, %dma_start3A_709] : memref<8x50x64xf32, #tpu.memory_space<vmem>> -> memref<1x50x64xf32, #tpu.memory_space<vmem>>
        %dma_start3A_711 = tpu.memref_squeeze %dma_start3A_710 : memref<1x50x64xf32, #tpu.memory_space<vmem>> -> memref<50x64xf32, #tpu.memory_space<vmem>>
        %dma_start3A_712 = tpu.memref_slice %arg6[%multiple_of3A_706] : memref<28672xi32, #tpu.memory_space<vmem>> -> memref<50xi32, #tpu.memory_space<vmem>>
        %dma_start3A_713 = arith.constant 0 : i32
        %dma_start3A_714 = arith.constant 0 : i32
        %dma_start3A_715 = tpu.memref_slice %arg3[%dma_start3A_713, %dma_start3A_714] : memref<1000000x64xf32, #tpu.memory_space<hbm>> -> memref<1000000x64xf32, #tpu.memory_space<hbm>>
        tpu.enqueue_indirect_dma source(%dma_start3A_715 : memref<1000000x64xf32, #tpu.memory_space<hbm>>) target(%dma_start3A_711 : memref<50x64xf32, #tpu.memory_space<vmem>>) offsets(%dma_start3A_712 : memref<50xi32, #tpu.memory_space<vmem>>) semaphore(%arg10 : memref<!tpu.dma_semaphore, #tpu.memory_space<semaphore_mem>>)
        %mul3A_716 = arith.constant 8 : i32
        %mul3A_717 = arith.muli %add3A_635, %mul3A_716 : i32
        %add3A_718 = arith.constant 5 : i32
        %add3A_719 = arith.addi %mul3A_717, %add3A_718 : i32
        %mul3A_720 = arith.constant 56 : i32
        %mul3A_721 = arith.muli %add3A_719, %mul3A_720 : i32
        %multiple_of3A_722 = tpu.assume_multiple %mul3A_721, 8 : i32
        %dma_start3A_723 = arith.constant 5 : i32
        %dma_start3A_724 = arith.constant 0 : i32
        %dma_start3A_725 = arith.constant 0 : i32
        %dma_start3A_726 = tpu.memref_slice %arg8[%dma_start3A_723, %dma_start3A_724, %dma_start3A_725] : memref<8x50x64xf32, #tpu.memory_space<vmem>> -> memref<1x50x64xf32, #tpu.memory_space<vmem>>
        %dma_start3A_727 = tpu.memref_squeeze %dma_start3A_726 : memref<1x50x64xf32, #tpu.memory_space<vmem>> -> memref<50x64xf32, #tpu.memory_space<vmem>>
        %dma_start3A_728 = tpu.memref_slice %arg6[%multiple_of3A_722] : memref<28672xi32, #tpu.memory_space<vmem>> -> memref<50xi32, #tpu.memory_space<vmem>>
        %dma_start3A_729 = arith.constant 0 : i32
        %dma_start3A_730 = arith.constant 0 : i32
        %dma_start3A_731 = tpu.memref_slice %arg3[%dma_start3A_729, %dma_start3A_730] : memref<1000000x64xf32, #tpu.memory_space<hbm>> -> memref<1000000x64xf32, #tpu.memory_space<hbm>>
        tpu.enqueue_indirect_dma source(%dma_start3A_731 : memref<1000000x64xf32, #tpu.memory_space<hbm>>) target(%dma_start3A_727 : memref<50x64xf32, #tpu.memory_space<vmem>>) offsets(%dma_start3A_728 : memref<50xi32, #tpu.memory_space<vmem>>) semaphore(%arg10 : memref<!tpu.dma_semaphore, #tpu.memory_space<semaphore_mem>>)
        %mul3A_732 = arith.constant 8 : i32
        %mul3A_733 = arith.muli %add3A_635, %mul3A_732 : i32
        %add3A_734 = arith.constant 6 : i32
        %add3A_735 = arith.addi %mul3A_733, %add3A_734 : i32
        %mul3A_736 = arith.constant 56 : i32
        %mul3A_737 = arith.muli %add3A_735, %mul3A_736 : i32
        %multiple_of3A_738 = tpu.assume_multiple %mul3A_737, 8 : i32
        %dma_start3A_739 = arith.constant 6 : i32
        %dma_start3A_740 = arith.constant 0 : i32
        %dma_start3A_741 = arith.constant 0 : i32
        %dma_start3A_742 = tpu.memref_slice %arg8[%dma_start3A_739, %dma_start3A_740, %dma_start3A_741] : memref<8x50x64xf32, #tpu.memory_space<vmem>> -> memref<1x50x64xf32, #tpu.memory_space<vmem>>
        %dma_start3A_743 = tpu.memref_squeeze %dma_start3A_742 : memref<1x50x64xf32, #tpu.memory_space<vmem>> -> memref<50x64xf32, #tpu.memory_space<vmem>>
        %dma_start3A_744 = tpu.memref_slice %arg6[%multiple_of3A_738] : memref<28672xi32, #tpu.memory_space<vmem>> -> memref<50xi32, #tpu.memory_space<vmem>>
        %dma_start3A_745 = arith.constant 0 : i32
        %dma_start3A_746 = arith.constant 0 : i32
        %dma_start3A_747 = tpu.memref_slice %arg3[%dma_start3A_745, %dma_start3A_746] : memref<1000000x64xf32, #tpu.memory_space<hbm>> -> memref<1000000x64xf32, #tpu.memory_space<hbm>>
        tpu.enqueue_indirect_dma source(%dma_start3A_747 : memref<1000000x64xf32, #tpu.memory_space<hbm>>) target(%dma_start3A_743 : memref<50x64xf32, #tpu.memory_space<vmem>>) offsets(%dma_start3A_744 : memref<50xi32, #tpu.memory_space<vmem>>) semaphore(%arg10 : memref<!tpu.dma_semaphore, #tpu.memory_space<semaphore_mem>>)
        %mul3A_748 = arith.constant 8 : i32
        %mul3A_749 = arith.muli %add3A_635, %mul3A_748 : i32
        %add3A_750 = arith.constant 7 : i32
        %add3A_751 = arith.addi %mul3A_749, %add3A_750 : i32
        %mul3A_752 = arith.constant 56 : i32
        %mul3A_753 = arith.muli %add3A_751, %mul3A_752 : i32
        %multiple_of3A_754 = tpu.assume_multiple %mul3A_753, 8 : i32
        %dma_start3A_755 = arith.constant 7 : i32
        %dma_start3A_756 = arith.constant 0 : i32
        %dma_start3A_757 = arith.constant 0 : i32
        %dma_start3A_758 = tpu.memref_slice %arg8[%dma_start3A_755, %dma_start3A_756, %dma_start3A_757] : memref<8x50x64xf32, #tpu.memory_space<vmem>> -> memref<1x50x64xf32, #tpu.memory_space<vmem>>
        %dma_start3A_759 = tpu.memref_squeeze %dma_start3A_758 : memref<1x50x64xf32, #tpu.memory_space<vmem>> -> memref<50x64xf32, #tpu.memory_space<vmem>>
        %dma_start3A_760 = tpu.memref_slice %arg6[%multiple_of3A_754] : memref<28672xi32, #tpu.memory_space<vmem>> -> memref<50xi32, #tpu.memory_space<vmem>>
        %dma_start3A_761 = arith.constant 0 : i32
        %dma_start3A_762 = arith.constant 0 : i32
        %dma_start3A_763 = tpu.memref_slice %arg3[%dma_start3A_761, %dma_start3A_762] : memref<1000000x64xf32, #tpu.memory_space<hbm>> -> memref<1000000x64xf32, #tpu.memory_space<hbm>>
        tpu.enqueue_indirect_dma source(%dma_start3A_763 : memref<1000000x64xf32, #tpu.memory_space<hbm>>) target(%dma_start3A_759 : memref<50x64xf32, #tpu.memory_space<vmem>>) offsets(%dma_start3A_760 : memref<50xi32, #tpu.memory_space<vmem>>) semaphore(%arg10 : memref<!tpu.dma_semaphore, #tpu.memory_space<semaphore_mem>>)
      } else {
      }
      %dma_wait3A = arith.constant 0 : i32
      %dma_wait3A_460 = arith.constant 0 : i32
      %dma_wait3A_461 = arith.constant 0 : i32
      %dma_wait3A_462 = tpu.memref_slice %arg7[%dma_wait3A, %dma_wait3A_460, %dma_wait3A_461] : memref<8x50x64xf32, #tpu.memory_space<vmem>> -> memref<1x50x64xf32, #tpu.memory_space<vmem>>
      %dma_wait3A_463 = tpu.memref_squeeze %dma_wait3A_462 : memref<1x50x64xf32, #tpu.memory_space<vmem>> -> memref<50x64xf32, #tpu.memory_space<vmem>>
      %dma_wait3A_464 = arith.constant 0 : i32
      %dma_wait3A_465 = tpu.memref_slice %arg6[%dma_wait3A_464] : memref<28672xi32, #tpu.memory_space<vmem>> -> memref<50xi32, #tpu.memory_space<vmem>>
      %dma_wait3A_466 = arith.constant 0 : i32
      %dma_wait3A_467 = arith.constant 0 : i32
      %dma_wait3A_468 = tpu.memref_slice %arg3[%dma_wait3A_466, %dma_wait3A_467] : memref<1000000x64xf32, #tpu.memory_space<hbm>> -> memref<1000000x64xf32, #tpu.memory_space<hbm>>
      tpu.wait_indirect_dma semaphore(%arg9 : memref<!tpu.dma_semaphore, #tpu.memory_space<semaphore_mem>>) src(%dma_wait3A_468 : memref<1000000x64xf32, #tpu.memory_space<hbm>>) dst(%dma_wait3A_463 : memref<50x64xf32, #tpu.memory_space<vmem>>)
      %dma_wait3A_469 = arith.constant 1 : i32
      %dma_wait3A_470 = arith.constant 0 : i32
      %dma_wait3A_471 = arith.constant 0 : i32
      %dma_wait3A_472 = tpu.memref_slice %arg7[%dma_wait3A_469, %dma_wait3A_470, %dma_wait3A_471] : memref<8x50x64xf32, #tpu.memory_space<vmem>> -> memref<1x50x64xf32, #tpu.memory_space<vmem>>
      %dma_wait3A_473 = tpu.memref_squeeze %dma_wait3A_472 : memref<1x50x64xf32, #tpu.memory_space<vmem>> -> memref<50x64xf32, #tpu.memory_space<vmem>>
      %dma_wait3A_474 = arith.constant 56 : i32
      %dma_wait3A_475 = tpu.memref_slice %arg6[%dma_wait3A_474] : memref<28672xi32, #tpu.memory_space<vmem>> -> memref<50xi32, #tpu.memory_space<vmem>>
      %dma_wait3A_476 = arith.constant 0 : i32
      %dma_wait3A_477 = arith.constant 0 : i32
      %dma_wait3A_478 = tpu.memref_slice %arg3[%dma_wait3A_476, %dma_wait3A_477] : memref<1000000x64xf32, #tpu.memory_space<hbm>> -> memref<1000000x64xf32, #tpu.memory_space<hbm>>
      tpu.wait_indirect_dma semaphore(%arg9 : memref<!tpu.dma_semaphore, #tpu.memory_space<semaphore_mem>>) src(%dma_wait3A_478 : memref<1000000x64xf32, #tpu.memory_space<hbm>>) dst(%dma_wait3A_473 : memref<50x64xf32, #tpu.memory_space<vmem>>)
      %dma_wait3A_479 = arith.constant 2 : i32
      %dma_wait3A_480 = arith.constant 0 : i32
      %dma_wait3A_481 = arith.constant 0 : i32
      %dma_wait3A_482 = tpu.memref_slice %arg7[%dma_wait3A_479, %dma_wait3A_480, %dma_wait3A_481] : memref<8x50x64xf32, #tpu.memory_space<vmem>> -> memref<1x50x64xf32, #tpu.memory_space<vmem>>
      %dma_wait3A_483 = tpu.memref_squeeze %dma_wait3A_482 : memref<1x50x64xf32, #tpu.memory_space<vmem>> -> memref<50x64xf32, #tpu.memory_space<vmem>>
      %dma_wait3A_484 = arith.constant 112 : i32
      %dma_wait3A_485 = tpu.memref_slice %arg6[%dma_wait3A_484] : memref<28672xi32, #tpu.memory_space<vmem>> -> memref<50xi32, #tpu.memory_space<vmem>>
      %dma_wait3A_486 = arith.constant 0 : i32
      %dma_wait3A_487 = arith.constant 0 : i32
      %dma_wait3A_488 = tpu.memref_slice %arg3[%dma_wait3A_486, %dma_wait3A_487] : memref<1000000x64xf32, #tpu.memory_space<hbm>> -> memref<1000000x64xf32, #tpu.memory_space<hbm>>
      tpu.wait_indirect_dma semaphore(%arg9 : memref<!tpu.dma_semaphore, #tpu.memory_space<semaphore_mem>>) src(%dma_wait3A_488 : memref<1000000x64xf32, #tpu.memory_space<hbm>>) dst(%dma_wait3A_483 : memref<50x64xf32, #tpu.memory_space<vmem>>)
      %dma_wait3A_489 = arith.constant 3 : i32
      %dma_wait3A_490 = arith.constant 0 : i32
      %dma_wait3A_491 = arith.constant 0 : i32
      %dma_wait3A_492 = tpu.memref_slice %arg7[%dma_wait3A_489, %dma_wait3A_490, %dma_wait3A_491] : memref<8x50x64xf32, #tpu.memory_space<vmem>> -> memref<1x50x64xf32, #tpu.memory_space<vmem>>
      %dma_wait3A_493 = tpu.memref_squeeze %dma_wait3A_492 : memref<1x50x64xf32, #tpu.memory_space<vmem>> -> memref<50x64xf32, #tpu.memory_space<vmem>>
      %dma_wait3A_494 = arith.constant 168 : i32
      %dma_wait3A_495 = tpu.memref_slice %arg6[%dma_wait3A_494] : memref<28672xi32, #tpu.memory_space<vmem>> -> memref<50xi32, #tpu.memory_space<vmem>>
      %dma_wait3A_496 = arith.constant 0 : i32
      %dma_wait3A_497 = arith.constant 0 : i32
      %dma_wait3A_498 = tpu.memref_slice %arg3[%dma_wait3A_496, %dma_wait3A_497] : memref<1000000x64xf32, #tpu.memory_space<hbm>> -> memref<1000000x64xf32, #tpu.memory_space<hbm>>
      tpu.wait_indirect_dma semaphore(%arg9 : memref<!tpu.dma_semaphore, #tpu.memory_space<semaphore_mem>>) src(%dma_wait3A_498 : memref<1000000x64xf32, #tpu.memory_space<hbm>>) dst(%dma_wait3A_493 : memref<50x64xf32, #tpu.memory_space<vmem>>)
      %dma_wait3A_499 = arith.constant 4 : i32
      %dma_wait3A_500 = arith.constant 0 : i32
      %dma_wait3A_501 = arith.constant 0 : i32
      %dma_wait3A_502 = tpu.memref_slice %arg7[%dma_wait3A_499, %dma_wait3A_500, %dma_wait3A_501] : memref<8x50x64xf32, #tpu.memory_space<vmem>> -> memref<1x50x64xf32, #tpu.memory_space<vmem>>
      %dma_wait3A_503 = tpu.memref_squeeze %dma_wait3A_502 : memref<1x50x64xf32, #tpu.memory_space<vmem>> -> memref<50x64xf32, #tpu.memory_space<vmem>>
      %dma_wait3A_504 = arith.constant 224 : i32
      %dma_wait3A_505 = tpu.memref_slice %arg6[%dma_wait3A_504] : memref<28672xi32, #tpu.memory_space<vmem>> -> memref<50xi32, #tpu.memory_space<vmem>>
      %dma_wait3A_506 = arith.constant 0 : i32
      %dma_wait3A_507 = arith.constant 0 : i32
      %dma_wait3A_508 = tpu.memref_slice %arg3[%dma_wait3A_506, %dma_wait3A_507] : memref<1000000x64xf32, #tpu.memory_space<hbm>> -> memref<1000000x64xf32, #tpu.memory_space<hbm>>
      tpu.wait_indirect_dma semaphore(%arg9 : memref<!tpu.dma_semaphore, #tpu.memory_space<semaphore_mem>>) src(%dma_wait3A_508 : memref<1000000x64xf32, #tpu.memory_space<hbm>>) dst(%dma_wait3A_503 : memref<50x64xf32, #tpu.memory_space<vmem>>)
      %dma_wait3A_509 = arith.constant 5 : i32
      %dma_wait3A_510 = arith.constant 0 : i32
      %dma_wait3A_511 = arith.constant 0 : i32
      %dma_wait3A_512 = tpu.memref_slice %arg7[%dma_wait3A_509, %dma_wait3A_510, %dma_wait3A_511] : memref<8x50x64xf32, #tpu.memory_space<vmem>> -> memref<1x50x64xf32, #tpu.memory_space<vmem>>
      %dma_wait3A_513 = tpu.memref_squeeze %dma_wait3A_512 : memref<1x50x64xf32, #tpu.memory_space<vmem>> -> memref<50x64xf32, #tpu.memory_space<vmem>>
      %dma_wait3A_514 = arith.constant 280 : i32
      %dma_wait3A_515 = tpu.memref_slice %arg6[%dma_wait3A_514] : memref<28672xi32, #tpu.memory_space<vmem>> -> memref<50xi32, #tpu.memory_space<vmem>>
      %dma_wait3A_516 = arith.constant 0 : i32
      %dma_wait3A_517 = arith.constant 0 : i32
      %dma_wait3A_518 = tpu.memref_slice %arg3[%dma_wait3A_516, %dma_wait3A_517] : memref<1000000x64xf32, #tpu.memory_space<hbm>> -> memref<1000000x64xf32, #tpu.memory_space<hbm>>
      tpu.wait_indirect_dma semaphore(%arg9 : memref<!tpu.dma_semaphore, #tpu.memory_space<semaphore_mem>>) src(%dma_wait3A_518 : memref<1000000x64xf32, #tpu.memory_space<hbm>>) dst(%dma_wait3A_513 : memref<50x64xf32, #tpu.memory_space<vmem>>)
      %dma_wait3A_519 = arith.constant 6 : i32
      %dma_wait3A_520 = arith.constant 0 : i32
      %dma_wait3A_521 = arith.constant 0 : i32
      %dma_wait3A_522 = tpu.memref_slice %arg7[%dma_wait3A_519, %dma_wait3A_520, %dma_wait3A_521] : memref<8x50x64xf32, #tpu.memory_space<vmem>> -> memref<1x50x64xf32, #tpu.memory_space<vmem>>
      %dma_wait3A_523 = tpu.memref_squeeze %dma_wait3A_522 : memref<1x50x64xf32, #tpu.memory_space<vmem>> -> memref<50x64xf32, #tpu.memory_space<vmem>>
      %dma_wait3A_524 = arith.constant 336 : i32
      %dma_wait3A_525 = tpu.memref_slice %arg6[%dma_wait3A_524] : memref<28672xi32, #tpu.memory_space<vmem>> -> memref<50xi32, #tpu.memory_space<vmem>>
      %dma_wait3A_526 = arith.constant 0 : i32
      %dma_wait3A_527 = arith.constant 0 : i32
      %dma_wait3A_528 = tpu.memref_slice %arg3[%dma_wait3A_526, %dma_wait3A_527] : memref<1000000x64xf32, #tpu.memory_space<hbm>> -> memref<1000000x64xf32, #tpu.memory_space<hbm>>
      tpu.wait_indirect_dma semaphore(%arg9 : memref<!tpu.dma_semaphore, #tpu.memory_space<semaphore_mem>>) src(%dma_wait3A_528 : memref<1000000x64xf32, #tpu.memory_space<hbm>>) dst(%dma_wait3A_523 : memref<50x64xf32, #tpu.memory_space<vmem>>)
      %dma_wait3A_529 = arith.constant 7 : i32
      %dma_wait3A_530 = arith.constant 0 : i32
      %dma_wait3A_531 = arith.constant 0 : i32
      %dma_wait3A_532 = tpu.memref_slice %arg7[%dma_wait3A_529, %dma_wait3A_530, %dma_wait3A_531] : memref<8x50x64xf32, #tpu.memory_space<vmem>> -> memref<1x50x64xf32, #tpu.memory_space<vmem>>
      %dma_wait3A_533 = tpu.memref_squeeze %dma_wait3A_532 : memref<1x50x64xf32, #tpu.memory_space<vmem>> -> memref<50x64xf32, #tpu.memory_space<vmem>>
      %dma_wait3A_534 = arith.constant 392 : i32
      %dma_wait3A_535 = tpu.memref_slice %arg6[%dma_wait3A_534] : memref<28672xi32, #tpu.memory_space<vmem>> -> memref<50xi32, #tpu.memory_space<vmem>>
      %dma_wait3A_536 = arith.constant 0 : i32
      %dma_wait3A_537 = arith.constant 0 : i32
      %dma_wait3A_538 = tpu.memref_slice %arg3[%dma_wait3A_536, %dma_wait3A_537] : memref<1000000x64xf32, #tpu.memory_space<hbm>> -> memref<1000000x64xf32, #tpu.memory_space<hbm>>
      tpu.wait_indirect_dma semaphore(%arg9 : memref<!tpu.dma_semaphore, #tpu.memory_space<semaphore_mem>>) src(%dma_wait3A_538 : memref<1000000x64xf32, #tpu.memory_space<hbm>>) dst(%dma_wait3A_533 : memref<50x64xf32, #tpu.memory_space<vmem>>)
      %mul3A_539 = arith.constant 8 : i32
      %mul3A_540 = arith.muli %add3A_455, %mul3A_539 : i32
      %add3A_541 = arith.addi %mul3A_2, %mul3A_540 : i32
      "tpu.region"() ({
        %run_scoped3A = tpu.sem_alloc : memref<!tpu.dma_semaphore, #tpu.memory_space<semaphore_mem>>
        %dma_start3A_634 = arith.constant 0 : i32
        %dma_start3A_635 = arith.constant 0 : i32
        %dma_start3A_636 = tpu.memref_slice %arg4[%add3A_541, %dma_start3A_634, %dma_start3A_635] : memref<16384x50x64xf32, #tpu.memory_space<hbm>> -> memref<8x50x64xf32, #tpu.memory_space<hbm>>
        %dma_start3A_637 = arith.constant 0 : i32
        %dma_start3A_638 = arith.constant 0 : i32
        %dma_start3A_639 = tpu.memref_slice %arg4[%add3A_541, %dma_start3A_637, %dma_start3A_638] : memref<16384x50x64xf32, #tpu.memory_space<hbm>> -> memref<8x50x64xf32, #tpu.memory_space<hbm>>
        tpu.enqueue_dma source(%arg7 : memref<8x50x64xf32, #tpu.memory_space<vmem>>) target(%dma_start3A_639 : memref<8x50x64xf32, #tpu.memory_space<hbm>>) target_semaphore(%run_scoped3A : memref<!tpu.dma_semaphore, #tpu.memory_space<semaphore_mem>>)
        %dma_wait3A_640 = arith.constant 0 : i32
        %dma_wait3A_641 = arith.constant 0 : i32
        %dma_wait3A_642 = tpu.memref_slice %arg4[%add3A_541, %dma_wait3A_640, %dma_wait3A_641] : memref<16384x50x64xf32, #tpu.memory_space<hbm>> -> memref<8x50x64xf32, #tpu.memory_space<hbm>>
        %dma_wait3A_643 = arith.constant 0 : i32
        %dma_wait3A_644 = arith.constant 0 : i32
        %dma_wait3A_645 = tpu.memref_slice %arg4[%add3A_541, %dma_wait3A_643, %dma_wait3A_644] : memref<16384x50x64xf32, #tpu.memory_space<hbm>> -> memref<8x50x64xf32, #tpu.memory_space<hbm>>
        tpu.wait_dma2 semaphore(%run_scoped3A : memref<!tpu.dma_semaphore, #tpu.memory_space<semaphore_mem>>) src(%arg7 : memref<8x50x64xf32, #tpu.memory_space<vmem>>) dst(%dma_wait3A_645 : memref<8x50x64xf32, #tpu.memory_space<hbm>>)
        tpu.yield
      }) : () -> ()
      %add3A_542 = arith.constant 1 : i32
      %add3A_543 = arith.addi %add3A_453, %add3A_542 : i32
      %add3A_544 = arith.constant 1 : i32
      %add3A_545 = arith.addi %add3A_543, %add3A_544 : i32
      %lt3A_546 = arith.constant 64 : i32
      %lt3A_547 = arith.cmpi slt, %add3A_545, %lt3A_546 : i32
      %convert_element_type3A_548 = arith.extui %lt3A_547 : i1 to i32
      %cond3A_549 = arith.constant 0 : i32
      %cond3A_550 = arith.cmpi ne, %convert_element_type3A_548, %cond3A_549 : i32
      scf.if %cond3A_550 {
        %add3A_634 = arith.constant 1 : i32
        %add3A_635 = arith.addi %add3A_543, %add3A_634 : i32
        %mul3A_636 = arith.constant 8 : i32
        %mul3A_637 = arith.muli %add3A_635, %mul3A_636 : i32
        %add3A_638 = arith.constant 0 : i32
        %add3A_639 = arith.addi %mul3A_637, %add3A_638 : i32
        %mul3A_640 = arith.constant 56 : i32
        %mul3A_641 = arith.muli %add3A_639, %mul3A_640 : i32
        %multiple_of3A_642 = tpu.assume_multiple %mul3A_641, 8 : i32
        %dma_start3A_643 = arith.constant 0 : i32
        %dma_start3A_644 = arith.constant 0 : i32
        %dma_start3A_645 = arith.constant 0 : i32
        %dma_start3A_646 = tpu.memref_slice %arg7[%dma_start3A_643, %dma_start3A_644, %dma_start3A_645] : memref<8x50x64xf32, #tpu.memory_space<vmem>> -> memref<1x50x64xf32, #tpu.memory_space<vmem>>
        %dma_start3A_647 = tpu.memref_squeeze %dma_start3A_646 : memref<1x50x64xf32, #tpu.memory_space<vmem>> -> memref<50x64xf32, #tpu.memory_space<vmem>>
        %dma_start3A_648 = tpu.memref_slice %arg6[%multiple_of3A_642] : memref<28672xi32, #tpu.memory_space<vmem>> -> memref<50xi32, #tpu.memory_space<vmem>>
        %dma_start3A_649 = arith.constant 0 : i32
        %dma_start3A_650 = arith.constant 0 : i32
        %dma_start3A_651 = tpu.memref_slice %arg3[%dma_start3A_649, %dma_start3A_650] : memref<1000000x64xf32, #tpu.memory_space<hbm>> -> memref<1000000x64xf32, #tpu.memory_space<hbm>>
        tpu.enqueue_indirect_dma source(%dma_start3A_651 : memref<1000000x64xf32, #tpu.memory_space<hbm>>) target(%dma_start3A_647 : memref<50x64xf32, #tpu.memory_space<vmem>>) offsets(%dma_start3A_648 : memref<50xi32, #tpu.memory_space<vmem>>) semaphore(%arg9 : memref<!tpu.dma_semaphore, #tpu.memory_space<semaphore_mem>>)
        %mul3A_652 = arith.constant 8 : i32
        %mul3A_653 = arith.muli %add3A_635, %mul3A_652 : i32
        %add3A_654 = arith.constant 1 : i32
        %add3A_655 = arith.addi %mul3A_653, %add3A_654 : i32
        %mul3A_656 = arith.constant 56 : i32
        %mul3A_657 = arith.muli %add3A_655, %mul3A_656 : i32
        %multiple_of3A_658 = tpu.assume_multiple %mul3A_657, 8 : i32
        %dma_start3A_659 = arith.constant 1 : i32
        %dma_start3A_660 = arith.constant 0 : i32
        %dma_start3A_661 = arith.constant 0 : i32
        %dma_start3A_662 = tpu.memref_slice %arg7[%dma_start3A_659, %dma_start3A_660, %dma_start3A_661] : memref<8x50x64xf32, #tpu.memory_space<vmem>> -> memref<1x50x64xf32, #tpu.memory_space<vmem>>
        %dma_start3A_663 = tpu.memref_squeeze %dma_start3A_662 : memref<1x50x64xf32, #tpu.memory_space<vmem>> -> memref<50x64xf32, #tpu.memory_space<vmem>>
        %dma_start3A_664 = tpu.memref_slice %arg6[%multiple_of3A_658] : memref<28672xi32, #tpu.memory_space<vmem>> -> memref<50xi32, #tpu.memory_space<vmem>>
        %dma_start3A_665 = arith.constant 0 : i32
        %dma_start3A_666 = arith.constant 0 : i32
        %dma_start3A_667 = tpu.memref_slice %arg3[%dma_start3A_665, %dma_start3A_666] : memref<1000000x64xf32, #tpu.memory_space<hbm>> -> memref<1000000x64xf32, #tpu.memory_space<hbm>>
        tpu.enqueue_indirect_dma source(%dma_start3A_667 : memref<1000000x64xf32, #tpu.memory_space<hbm>>) target(%dma_start3A_663 : memref<50x64xf32, #tpu.memory_space<vmem>>) offsets(%dma_start3A_664 : memref<50xi32, #tpu.memory_space<vmem>>) semaphore(%arg9 : memref<!tpu.dma_semaphore, #tpu.memory_space<semaphore_mem>>)
        %mul3A_668 = arith.constant 8 : i32
        %mul3A_669 = arith.muli %add3A_635, %mul3A_668 : i32
        %add3A_670 = arith.constant 2 : i32
        %add3A_671 = arith.addi %mul3A_669, %add3A_670 : i32
        %mul3A_672 = arith.constant 56 : i32
        %mul3A_673 = arith.muli %add3A_671, %mul3A_672 : i32
        %multiple_of3A_674 = tpu.assume_multiple %mul3A_673, 8 : i32
        %dma_start3A_675 = arith.constant 2 : i32
        %dma_start3A_676 = arith.constant 0 : i32
        %dma_start3A_677 = arith.constant 0 : i32
        %dma_start3A_678 = tpu.memref_slice %arg7[%dma_start3A_675, %dma_start3A_676, %dma_start3A_677] : memref<8x50x64xf32, #tpu.memory_space<vmem>> -> memref<1x50x64xf32, #tpu.memory_space<vmem>>
        %dma_start3A_679 = tpu.memref_squeeze %dma_start3A_678 : memref<1x50x64xf32, #tpu.memory_space<vmem>> -> memref<50x64xf32, #tpu.memory_space<vmem>>
        %dma_start3A_680 = tpu.memref_slice %arg6[%multiple_of3A_674] : memref<28672xi32, #tpu.memory_space<vmem>> -> memref<50xi32, #tpu.memory_space<vmem>>
        %dma_start3A_681 = arith.constant 0 : i32
        %dma_start3A_682 = arith.constant 0 : i32
        %dma_start3A_683 = tpu.memref_slice %arg3[%dma_start3A_681, %dma_start3A_682] : memref<1000000x64xf32, #tpu.memory_space<hbm>> -> memref<1000000x64xf32, #tpu.memory_space<hbm>>
        tpu.enqueue_indirect_dma source(%dma_start3A_683 : memref<1000000x64xf32, #tpu.memory_space<hbm>>) target(%dma_start3A_679 : memref<50x64xf32, #tpu.memory_space<vmem>>) offsets(%dma_start3A_680 : memref<50xi32, #tpu.memory_space<vmem>>) semaphore(%arg9 : memref<!tpu.dma_semaphore, #tpu.memory_space<semaphore_mem>>)
        %mul3A_684 = arith.constant 8 : i32
        %mul3A_685 = arith.muli %add3A_635, %mul3A_684 : i32
        %add3A_686 = arith.constant 3 : i32
        %add3A_687 = arith.addi %mul3A_685, %add3A_686 : i32
        %mul3A_688 = arith.constant 56 : i32
        %mul3A_689 = arith.muli %add3A_687, %mul3A_688 : i32
        %multiple_of3A_690 = tpu.assume_multiple %mul3A_689, 8 : i32
        %dma_start3A_691 = arith.constant 3 : i32
        %dma_start3A_692 = arith.constant 0 : i32
        %dma_start3A_693 = arith.constant 0 : i32
        %dma_start3A_694 = tpu.memref_slice %arg7[%dma_start3A_691, %dma_start3A_692, %dma_start3A_693] : memref<8x50x64xf32, #tpu.memory_space<vmem>> -> memref<1x50x64xf32, #tpu.memory_space<vmem>>
        %dma_start3A_695 = tpu.memref_squeeze %dma_start3A_694 : memref<1x50x64xf32, #tpu.memory_space<vmem>> -> memref<50x64xf32, #tpu.memory_space<vmem>>
        %dma_start3A_696 = tpu.memref_slice %arg6[%multiple_of3A_690] : memref<28672xi32, #tpu.memory_space<vmem>> -> memref<50xi32, #tpu.memory_space<vmem>>
        %dma_start3A_697 = arith.constant 0 : i32
        %dma_start3A_698 = arith.constant 0 : i32
        %dma_start3A_699 = tpu.memref_slice %arg3[%dma_start3A_697, %dma_start3A_698] : memref<1000000x64xf32, #tpu.memory_space<hbm>> -> memref<1000000x64xf32, #tpu.memory_space<hbm>>
        tpu.enqueue_indirect_dma source(%dma_start3A_699 : memref<1000000x64xf32, #tpu.memory_space<hbm>>) target(%dma_start3A_695 : memref<50x64xf32, #tpu.memory_space<vmem>>) offsets(%dma_start3A_696 : memref<50xi32, #tpu.memory_space<vmem>>) semaphore(%arg9 : memref<!tpu.dma_semaphore, #tpu.memory_space<semaphore_mem>>)
        %mul3A_700 = arith.constant 8 : i32
        %mul3A_701 = arith.muli %add3A_635, %mul3A_700 : i32
        %add3A_702 = arith.constant 4 : i32
        %add3A_703 = arith.addi %mul3A_701, %add3A_702 : i32
        %mul3A_704 = arith.constant 56 : i32
        %mul3A_705 = arith.muli %add3A_703, %mul3A_704 : i32
        %multiple_of3A_706 = tpu.assume_multiple %mul3A_705, 8 : i32
        %dma_start3A_707 = arith.constant 4 : i32
        %dma_start3A_708 = arith.constant 0 : i32
        %dma_start3A_709 = arith.constant 0 : i32
        %dma_start3A_710 = tpu.memref_slice %arg7[%dma_start3A_707, %dma_start3A_708, %dma_start3A_709] : memref<8x50x64xf32, #tpu.memory_space<vmem>> -> memref<1x50x64xf32, #tpu.memory_space<vmem>>
        %dma_start3A_711 = tpu.memref_squeeze %dma_start3A_710 : memref<1x50x64xf32, #tpu.memory_space<vmem>> -> memref<50x64xf32, #tpu.memory_space<vmem>>
        %dma_start3A_712 = tpu.memref_slice %arg6[%multiple_of3A_706] : memref<28672xi32, #tpu.memory_space<vmem>> -> memref<50xi32, #tpu.memory_space<vmem>>
        %dma_start3A_713 = arith.constant 0 : i32
        %dma_start3A_714 = arith.constant 0 : i32
        %dma_start3A_715 = tpu.memref_slice %arg3[%dma_start3A_713, %dma_start3A_714] : memref<1000000x64xf32, #tpu.memory_space<hbm>> -> memref<1000000x64xf32, #tpu.memory_space<hbm>>
        tpu.enqueue_indirect_dma source(%dma_start3A_715 : memref<1000000x64xf32, #tpu.memory_space<hbm>>) target(%dma_start3A_711 : memref<50x64xf32, #tpu.memory_space<vmem>>) offsets(%dma_start3A_712 : memref<50xi32, #tpu.memory_space<vmem>>) semaphore(%arg9 : memref<!tpu.dma_semaphore, #tpu.memory_space<semaphore_mem>>)
        %mul3A_716 = arith.constant 8 : i32
        %mul3A_717 = arith.muli %add3A_635, %mul3A_716 : i32
        %add3A_718 = arith.constant 5 : i32
        %add3A_719 = arith.addi %mul3A_717, %add3A_718 : i32
        %mul3A_720 = arith.constant 56 : i32
        %mul3A_721 = arith.muli %add3A_719, %mul3A_720 : i32
        %multiple_of3A_722 = tpu.assume_multiple %mul3A_721, 8 : i32
        %dma_start3A_723 = arith.constant 5 : i32
        %dma_start3A_724 = arith.constant 0 : i32
        %dma_start3A_725 = arith.constant 0 : i32
        %dma_start3A_726 = tpu.memref_slice %arg7[%dma_start3A_723, %dma_start3A_724, %dma_start3A_725] : memref<8x50x64xf32, #tpu.memory_space<vmem>> -> memref<1x50x64xf32, #tpu.memory_space<vmem>>
        %dma_start3A_727 = tpu.memref_squeeze %dma_start3A_726 : memref<1x50x64xf32, #tpu.memory_space<vmem>> -> memref<50x64xf32, #tpu.memory_space<vmem>>
        %dma_start3A_728 = tpu.memref_slice %arg6[%multiple_of3A_722] : memref<28672xi32, #tpu.memory_space<vmem>> -> memref<50xi32, #tpu.memory_space<vmem>>
        %dma_start3A_729 = arith.constant 0 : i32
        %dma_start3A_730 = arith.constant 0 : i32
        %dma_start3A_731 = tpu.memref_slice %arg3[%dma_start3A_729, %dma_start3A_730] : memref<1000000x64xf32, #tpu.memory_space<hbm>> -> memref<1000000x64xf32, #tpu.memory_space<hbm>>
        tpu.enqueue_indirect_dma source(%dma_start3A_731 : memref<1000000x64xf32, #tpu.memory_space<hbm>>) target(%dma_start3A_727 : memref<50x64xf32, #tpu.memory_space<vmem>>) offsets(%dma_start3A_728 : memref<50xi32, #tpu.memory_space<vmem>>) semaphore(%arg9 : memref<!tpu.dma_semaphore, #tpu.memory_space<semaphore_mem>>)
        %mul3A_732 = arith.constant 8 : i32
        %mul3A_733 = arith.muli %add3A_635, %mul3A_732 : i32
        %add3A_734 = arith.constant 6 : i32
        %add3A_735 = arith.addi %mul3A_733, %add3A_734 : i32
        %mul3A_736 = arith.constant 56 : i32
        %mul3A_737 = arith.muli %add3A_735, %mul3A_736 : i32
        %multiple_of3A_738 = tpu.assume_multiple %mul3A_737, 8 : i32
        %dma_start3A_739 = arith.constant 6 : i32
        %dma_start3A_740 = arith.constant 0 : i32
        %dma_start3A_741 = arith.constant 0 : i32
        %dma_start3A_742 = tpu.memref_slice %arg7[%dma_start3A_739, %dma_start3A_740, %dma_start3A_741] : memref<8x50x64xf32, #tpu.memory_space<vmem>> -> memref<1x50x64xf32, #tpu.memory_space<vmem>>
        %dma_start3A_743 = tpu.memref_squeeze %dma_start3A_742 : memref<1x50x64xf32, #tpu.memory_space<vmem>> -> memref<50x64xf32, #tpu.memory_space<vmem>>
        %dma_start3A_744 = tpu.memref_slice %arg6[%multiple_of3A_738] : memref<28672xi32, #tpu.memory_space<vmem>> -> memref<50xi32, #tpu.memory_space<vmem>>
        %dma_start3A_745 = arith.constant 0 : i32
        %dma_start3A_746 = arith.constant 0 : i32
        %dma_start3A_747 = tpu.memref_slice %arg3[%dma_start3A_745, %dma_start3A_746] : memref<1000000x64xf32, #tpu.memory_space<hbm>> -> memref<1000000x64xf32, #tpu.memory_space<hbm>>
        tpu.enqueue_indirect_dma source(%dma_start3A_747 : memref<1000000x64xf32, #tpu.memory_space<hbm>>) target(%dma_start3A_743 : memref<50x64xf32, #tpu.memory_space<vmem>>) offsets(%dma_start3A_744 : memref<50xi32, #tpu.memory_space<vmem>>) semaphore(%arg9 : memref<!tpu.dma_semaphore, #tpu.memory_space<semaphore_mem>>)
        %mul3A_748 = arith.constant 8 : i32
        %mul3A_749 = arith.muli %add3A_635, %mul3A_748 : i32
        %add3A_750 = arith.constant 7 : i32
        %add3A_751 = arith.addi %mul3A_749, %add3A_750 : i32
        %mul3A_752 = arith.constant 56 : i32
        %mul3A_753 = arith.muli %add3A_751, %mul3A_752 : i32
        %multiple_of3A_754 = tpu.assume_multiple %mul3A_753, 8 : i32
        %dma_start3A_755 = arith.constant 7 : i32
        %dma_start3A_756 = arith.constant 0 : i32
        %dma_start3A_757 = arith.constant 0 : i32
        %dma_start3A_758 = tpu.memref_slice %arg7[%dma_start3A_755, %dma_start3A_756, %dma_start3A_757] : memref<8x50x64xf32, #tpu.memory_space<vmem>> -> memref<1x50x64xf32, #tpu.memory_space<vmem>>
        %dma_start3A_759 = tpu.memref_squeeze %dma_start3A_758 : memref<1x50x64xf32, #tpu.memory_space<vmem>> -> memref<50x64xf32, #tpu.memory_space<vmem>>
        %dma_start3A_760 = tpu.memref_slice %arg6[%multiple_of3A_754] : memref<28672xi32, #tpu.memory_space<vmem>> -> memref<50xi32, #tpu.memory_space<vmem>>
        %dma_start3A_761 = arith.constant 0 : i32
        %dma_start3A_762 = arith.constant 0 : i32
        %dma_start3A_763 = tpu.memref_slice %arg3[%dma_start3A_761, %dma_start3A_762] : memref<1000000x64xf32, #tpu.memory_space<hbm>> -> memref<1000000x64xf32, #tpu.memory_space<hbm>>
        tpu.enqueue_indirect_dma source(%dma_start3A_763 : memref<1000000x64xf32, #tpu.memory_space<hbm>>) target(%dma_start3A_759 : memref<50x64xf32, #tpu.memory_space<vmem>>) offsets(%dma_start3A_760 : memref<50xi32, #tpu.memory_space<vmem>>) semaphore(%arg9 : memref<!tpu.dma_semaphore, #tpu.memory_space<semaphore_mem>>)
      } else {
      }
      %dma_wait3A_551 = arith.constant 0 : i32
      %dma_wait3A_552 = arith.constant 0 : i32
      %dma_wait3A_553 = arith.constant 0 : i32
      %dma_wait3A_554 = tpu.memref_slice %arg8[%dma_wait3A_551, %dma_wait3A_552, %dma_wait3A_553] : memref<8x50x64xf32, #tpu.memory_space<vmem>> -> memref<1x50x64xf32, #tpu.memory_space<vmem>>
      %dma_wait3A_555 = tpu.memref_squeeze %dma_wait3A_554 : memref<1x50x64xf32, #tpu.memory_space<vmem>> -> memref<50x64xf32, #tpu.memory_space<vmem>>
      %dma_wait3A_556 = arith.constant 0 : i32
      %dma_wait3A_557 = tpu.memref_slice %arg6[%dma_wait3A_556] : memref<28672xi32, #tpu.memory_space<vmem>> -> memref<50xi32, #tpu.memory_space<vmem>>
      %dma_wait3A_558 = arith.constant 0 : i32
      %dma_wait3A_559 = arith.constant 0 : i32
      %dma_wait3A_560 = tpu.memref_slice %arg3[%dma_wait3A_558, %dma_wait3A_559] : memref<1000000x64xf32, #tpu.memory_space<hbm>> -> memref<1000000x64xf32, #tpu.memory_space<hbm>>
      tpu.wait_indirect_dma semaphore(%arg10 : memref<!tpu.dma_semaphore, #tpu.memory_space<semaphore_mem>>) src(%dma_wait3A_560 : memref<1000000x64xf32, #tpu.memory_space<hbm>>) dst(%dma_wait3A_555 : memref<50x64xf32, #tpu.memory_space<vmem>>)
      %dma_wait3A_561 = arith.constant 1 : i32
      %dma_wait3A_562 = arith.constant 0 : i32
      %dma_wait3A_563 = arith.constant 0 : i32
      %dma_wait3A_564 = tpu.memref_slice %arg8[%dma_wait3A_561, %dma_wait3A_562, %dma_wait3A_563] : memref<8x50x64xf32, #tpu.memory_space<vmem>> -> memref<1x50x64xf32, #tpu.memory_space<vmem>>
      %dma_wait3A_565 = tpu.memref_squeeze %dma_wait3A_564 : memref<1x50x64xf32, #tpu.memory_space<vmem>> -> memref<50x64xf32, #tpu.memory_space<vmem>>
      %dma_wait3A_566 = arith.constant 56 : i32
      %dma_wait3A_567 = tpu.memref_slice %arg6[%dma_wait3A_566] : memref<28672xi32, #tpu.memory_space<vmem>> -> memref<50xi32, #tpu.memory_space<vmem>>
      %dma_wait3A_568 = arith.constant 0 : i32
      %dma_wait3A_569 = arith.constant 0 : i32
      %dma_wait3A_570 = tpu.memref_slice %arg3[%dma_wait3A_568, %dma_wait3A_569] : memref<1000000x64xf32, #tpu.memory_space<hbm>> -> memref<1000000x64xf32, #tpu.memory_space<hbm>>
      tpu.wait_indirect_dma semaphore(%arg10 : memref<!tpu.dma_semaphore, #tpu.memory_space<semaphore_mem>>) src(%dma_wait3A_570 : memref<1000000x64xf32, #tpu.memory_space<hbm>>) dst(%dma_wait3A_565 : memref<50x64xf32, #tpu.memory_space<vmem>>)
      %dma_wait3A_571 = arith.constant 2 : i32
      %dma_wait3A_572 = arith.constant 0 : i32
      %dma_wait3A_573 = arith.constant 0 : i32
      %dma_wait3A_574 = tpu.memref_slice %arg8[%dma_wait3A_571, %dma_wait3A_572, %dma_wait3A_573] : memref<8x50x64xf32, #tpu.memory_space<vmem>> -> memref<1x50x64xf32, #tpu.memory_space<vmem>>
      %dma_wait3A_575 = tpu.memref_squeeze %dma_wait3A_574 : memref<1x50x64xf32, #tpu.memory_space<vmem>> -> memref<50x64xf32, #tpu.memory_space<vmem>>
      %dma_wait3A_576 = arith.constant 112 : i32
      %dma_wait3A_577 = tpu.memref_slice %arg6[%dma_wait3A_576] : memref<28672xi32, #tpu.memory_space<vmem>> -> memref<50xi32, #tpu.memory_space<vmem>>
      %dma_wait3A_578 = arith.constant 0 : i32
      %dma_wait3A_579 = arith.constant 0 : i32
      %dma_wait3A_580 = tpu.memref_slice %arg3[%dma_wait3A_578, %dma_wait3A_579] : memref<1000000x64xf32, #tpu.memory_space<hbm>> -> memref<1000000x64xf32, #tpu.memory_space<hbm>>
      tpu.wait_indirect_dma semaphore(%arg10 : memref<!tpu.dma_semaphore, #tpu.memory_space<semaphore_mem>>) src(%dma_wait3A_580 : memref<1000000x64xf32, #tpu.memory_space<hbm>>) dst(%dma_wait3A_575 : memref<50x64xf32, #tpu.memory_space<vmem>>)
      %dma_wait3A_581 = arith.constant 3 : i32
      %dma_wait3A_582 = arith.constant 0 : i32
      %dma_wait3A_583 = arith.constant 0 : i32
      %dma_wait3A_584 = tpu.memref_slice %arg8[%dma_wait3A_581, %dma_wait3A_582, %dma_wait3A_583] : memref<8x50x64xf32, #tpu.memory_space<vmem>> -> memref<1x50x64xf32, #tpu.memory_space<vmem>>
      %dma_wait3A_585 = tpu.memref_squeeze %dma_wait3A_584 : memref<1x50x64xf32, #tpu.memory_space<vmem>> -> memref<50x64xf32, #tpu.memory_space<vmem>>
      %dma_wait3A_586 = arith.constant 168 : i32
      %dma_wait3A_587 = tpu.memref_slice %arg6[%dma_wait3A_586] : memref<28672xi32, #tpu.memory_space<vmem>> -> memref<50xi32, #tpu.memory_space<vmem>>
      %dma_wait3A_588 = arith.constant 0 : i32
      %dma_wait3A_589 = arith.constant 0 : i32
      %dma_wait3A_590 = tpu.memref_slice %arg3[%dma_wait3A_588, %dma_wait3A_589] : memref<1000000x64xf32, #tpu.memory_space<hbm>> -> memref<1000000x64xf32, #tpu.memory_space<hbm>>
      tpu.wait_indirect_dma semaphore(%arg10 : memref<!tpu.dma_semaphore, #tpu.memory_space<semaphore_mem>>) src(%dma_wait3A_590 : memref<1000000x64xf32, #tpu.memory_space<hbm>>) dst(%dma_wait3A_585 : memref<50x64xf32, #tpu.memory_space<vmem>>)
      %dma_wait3A_591 = arith.constant 4 : i32
      %dma_wait3A_592 = arith.constant 0 : i32
      %dma_wait3A_593 = arith.constant 0 : i32
      %dma_wait3A_594 = tpu.memref_slice %arg8[%dma_wait3A_591, %dma_wait3A_592, %dma_wait3A_593] : memref<8x50x64xf32, #tpu.memory_space<vmem>> -> memref<1x50x64xf32, #tpu.memory_space<vmem>>
      %dma_wait3A_595 = tpu.memref_squeeze %dma_wait3A_594 : memref<1x50x64xf32, #tpu.memory_space<vmem>> -> memref<50x64xf32, #tpu.memory_space<vmem>>
      %dma_wait3A_596 = arith.constant 224 : i32
      %dma_wait3A_597 = tpu.memref_slice %arg6[%dma_wait3A_596] : memref<28672xi32, #tpu.memory_space<vmem>> -> memref<50xi32, #tpu.memory_space<vmem>>
      %dma_wait3A_598 = arith.constant 0 : i32
      %dma_wait3A_599 = arith.constant 0 : i32
      %dma_wait3A_600 = tpu.memref_slice %arg3[%dma_wait3A_598, %dma_wait3A_599] : memref<1000000x64xf32, #tpu.memory_space<hbm>> -> memref<1000000x64xf32, #tpu.memory_space<hbm>>
      tpu.wait_indirect_dma semaphore(%arg10 : memref<!tpu.dma_semaphore, #tpu.memory_space<semaphore_mem>>) src(%dma_wait3A_600 : memref<1000000x64xf32, #tpu.memory_space<hbm>>) dst(%dma_wait3A_595 : memref<50x64xf32, #tpu.memory_space<vmem>>)
      %dma_wait3A_601 = arith.constant 5 : i32
      %dma_wait3A_602 = arith.constant 0 : i32
      %dma_wait3A_603 = arith.constant 0 : i32
      %dma_wait3A_604 = tpu.memref_slice %arg8[%dma_wait3A_601, %dma_wait3A_602, %dma_wait3A_603] : memref<8x50x64xf32, #tpu.memory_space<vmem>> -> memref<1x50x64xf32, #tpu.memory_space<vmem>>
      %dma_wait3A_605 = tpu.memref_squeeze %dma_wait3A_604 : memref<1x50x64xf32, #tpu.memory_space<vmem>> -> memref<50x64xf32, #tpu.memory_space<vmem>>
      %dma_wait3A_606 = arith.constant 280 : i32
      %dma_wait3A_607 = tpu.memref_slice %arg6[%dma_wait3A_606] : memref<28672xi32, #tpu.memory_space<vmem>> -> memref<50xi32, #tpu.memory_space<vmem>>
      %dma_wait3A_608 = arith.constant 0 : i32
      %dma_wait3A_609 = arith.constant 0 : i32
      %dma_wait3A_610 = tpu.memref_slice %arg3[%dma_wait3A_608, %dma_wait3A_609] : memref<1000000x64xf32, #tpu.memory_space<hbm>> -> memref<1000000x64xf32, #tpu.memory_space<hbm>>
      tpu.wait_indirect_dma semaphore(%arg10 : memref<!tpu.dma_semaphore, #tpu.memory_space<semaphore_mem>>) src(%dma_wait3A_610 : memref<1000000x64xf32, #tpu.memory_space<hbm>>) dst(%dma_wait3A_605 : memref<50x64xf32, #tpu.memory_space<vmem>>)
      %dma_wait3A_611 = arith.constant 6 : i32
      %dma_wait3A_612 = arith.constant 0 : i32
      %dma_wait3A_613 = arith.constant 0 : i32
      %dma_wait3A_614 = tpu.memref_slice %arg8[%dma_wait3A_611, %dma_wait3A_612, %dma_wait3A_613] : memref<8x50x64xf32, #tpu.memory_space<vmem>> -> memref<1x50x64xf32, #tpu.memory_space<vmem>>
      %dma_wait3A_615 = tpu.memref_squeeze %dma_wait3A_614 : memref<1x50x64xf32, #tpu.memory_space<vmem>> -> memref<50x64xf32, #tpu.memory_space<vmem>>
      %dma_wait3A_616 = arith.constant 336 : i32
      %dma_wait3A_617 = tpu.memref_slice %arg6[%dma_wait3A_616] : memref<28672xi32, #tpu.memory_space<vmem>> -> memref<50xi32, #tpu.memory_space<vmem>>
      %dma_wait3A_618 = arith.constant 0 : i32
      %dma_wait3A_619 = arith.constant 0 : i32
      %dma_wait3A_620 = tpu.memref_slice %arg3[%dma_wait3A_618, %dma_wait3A_619] : memref<1000000x64xf32, #tpu.memory_space<hbm>> -> memref<1000000x64xf32, #tpu.memory_space<hbm>>
      tpu.wait_indirect_dma semaphore(%arg10 : memref<!tpu.dma_semaphore, #tpu.memory_space<semaphore_mem>>) src(%dma_wait3A_620 : memref<1000000x64xf32, #tpu.memory_space<hbm>>) dst(%dma_wait3A_615 : memref<50x64xf32, #tpu.memory_space<vmem>>)
      %dma_wait3A_621 = arith.constant 7 : i32
      %dma_wait3A_622 = arith.constant 0 : i32
      %dma_wait3A_623 = arith.constant 0 : i32
      %dma_wait3A_624 = tpu.memref_slice %arg8[%dma_wait3A_621, %dma_wait3A_622, %dma_wait3A_623] : memref<8x50x64xf32, #tpu.memory_space<vmem>> -> memref<1x50x64xf32, #tpu.memory_space<vmem>>
      %dma_wait3A_625 = tpu.memref_squeeze %dma_wait3A_624 : memref<1x50x64xf32, #tpu.memory_space<vmem>> -> memref<50x64xf32, #tpu.memory_space<vmem>>
      %dma_wait3A_626 = arith.constant 392 : i32
      %dma_wait3A_627 = tpu.memref_slice %arg6[%dma_wait3A_626] : memref<28672xi32, #tpu.memory_space<vmem>> -> memref<50xi32, #tpu.memory_space<vmem>>
      %dma_wait3A_628 = arith.constant 0 : i32
      %dma_wait3A_629 = arith.constant 0 : i32
      %dma_wait3A_630 = tpu.memref_slice %arg3[%dma_wait3A_628, %dma_wait3A_629] : memref<1000000x64xf32, #tpu.memory_space<hbm>> -> memref<1000000x64xf32, #tpu.memory_space<hbm>>
      tpu.wait_indirect_dma semaphore(%arg10 : memref<!tpu.dma_semaphore, #tpu.memory_space<semaphore_mem>>) src(%dma_wait3A_630 : memref<1000000x64xf32, #tpu.memory_space<hbm>>) dst(%dma_wait3A_625 : memref<50x64xf32, #tpu.memory_space<vmem>>)
      %mul3A_631 = arith.constant 8 : i32
      %mul3A_632 = arith.muli %add3A_543, %mul3A_631 : i32
      %add3A_633 = arith.addi %mul3A_2, %mul3A_632 : i32
      "tpu.region"() ({
        %run_scoped3A = tpu.sem_alloc : memref<!tpu.dma_semaphore, #tpu.memory_space<semaphore_mem>>
        %dma_start3A_634 = arith.constant 0 : i32
        %dma_start3A_635 = arith.constant 0 : i32
        %dma_start3A_636 = tpu.memref_slice %arg4[%add3A_633, %dma_start3A_634, %dma_start3A_635] : memref<16384x50x64xf32, #tpu.memory_space<hbm>> -> memref<8x50x64xf32, #tpu.memory_space<hbm>>
        %dma_start3A_637 = arith.constant 0 : i32
        %dma_start3A_638 = arith.constant 0 : i32
        %dma_start3A_639 = tpu.memref_slice %arg4[%add3A_633, %dma_start3A_637, %dma_start3A_638] : memref<16384x50x64xf32, #tpu.memory_space<hbm>> -> memref<8x50x64xf32, #tpu.memory_space<hbm>>
        tpu.enqueue_dma source(%arg8 : memref<8x50x64xf32, #tpu.memory_space<vmem>>) target(%dma_start3A_639 : memref<8x50x64xf32, #tpu.memory_space<hbm>>) target_semaphore(%run_scoped3A : memref<!tpu.dma_semaphore, #tpu.memory_space<semaphore_mem>>)
        %dma_wait3A_640 = arith.constant 0 : i32
        %dma_wait3A_641 = arith.constant 0 : i32
        %dma_wait3A_642 = tpu.memref_slice %arg4[%add3A_633, %dma_wait3A_640, %dma_wait3A_641] : memref<16384x50x64xf32, #tpu.memory_space<hbm>> -> memref<8x50x64xf32, #tpu.memory_space<hbm>>
        %dma_wait3A_643 = arith.constant 0 : i32
        %dma_wait3A_644 = arith.constant 0 : i32
        %dma_wait3A_645 = tpu.memref_slice %arg4[%add3A_633, %dma_wait3A_643, %dma_wait3A_644] : memref<16384x50x64xf32, #tpu.memory_space<hbm>> -> memref<8x50x64xf32, #tpu.memory_space<hbm>>
        tpu.wait_dma2 semaphore(%run_scoped3A : memref<!tpu.dma_semaphore, #tpu.memory_space<semaphore_mem>>) src(%arg8 : memref<8x50x64xf32, #tpu.memory_space<vmem>>) dst(%dma_wait3A_645 : memref<8x50x64xf32, #tpu.memory_space<hbm>>)
        tpu.yield
      }) : () -> ()
    }
    %scan3A_448 = arith.constant 32 : i32
    return
  }
}

</mosaic_0001>

<sc_bundles>
// kernel: kernel.3.cloned.1.call-start
scs
__scs_entry_jumppad:
0x0: {  	(pc) =	sbr.rel $0x88, $3  }
0x1: {  	(tag) =	ssettag $0x0;
	lr =	simm.s32 $0x1  }
0x2: {  	[smem:$0x3F9F] =	sst lr;
	_ =	strace $0xD0000000  }
0x3: {  	_ = 	snop  }
0x4: {  	_ = 	snop  }
0x5: {  	_ = 	snop  }
0x6: {  	_ = 	snop  }
0x7: {  	_ = 	snop  }
__scs_overlays_trampoline_lowered:
0x8: {  	[smem:$0x3FAE] =	sst s0  }
0x9: {  	[smem:$0x3FAF] =	sst s1  }
0xa: {  	[smem:$0x3FB0] =	sst s2  }
0xb: {  	[smem:$0x3FB1] =	sst s3  }
0xc: {  	[smem:$0x3FB2] =	sst s4  }
0xd: {  	[smem:$0x3FB3] =	sst s5  }
0xe: {  	[smem:$0x3FB4] =	sst s6  }
0xf: {  	[smem:$0x3FB5] =	sst s7  }
0x10: {  	[smem:$0x3FB6] =	sst s8  }
0x11: {  	[smem:$0x3FB7] =	sst s9;
	s0 =	simm.s32 @!p0 $0x0  }
0x12: {  	s1 =	sld [smem:$0x3F9D];
	s0 =	simm.s32 @p0 $0x1  }
0x13: {  	[smem:$0x3FB8] =	sst s0;
	s0 =	simm.s32 @!p1 $0x0  }
0x14: {  	s2 =	sld [smem:$0x3F9C];
	s0 =	simm.s32 @p1 $0x1  }
0x15: {  	[smem:$0x3FB9] =	sst s0;
	s0 =	simm.s32 @!p2 $0x0  }
0x16: {  	s3 =	sld [smem:$0x3FDB];
	s0 =	simm.s32 @p2 $0x1  }
0x17: {  	s4 =	simm.s32 $0x1BF5;
	[smem:$0x3FBB] =	sst s0  }
0x18: {  	s0 =	sld [smem:$0x3F9E];
	_ =	swait.ge [sflag:s4], $0x0  }
0x19: {  	s7 =	sld [smem:$0x3F9F]  }
0x1a: {  	s8 =	sadd.s32 $0xFFFFE003, lr  }
0x1b: {  	s9 =	sadd.s32 $0xFFFFFEF7, lr;
	s5 =	simm.s32 $0xFFFFFFFF;
	p2 =	slt.u32 s8, $0xFFFFF086  }
0x1c: {  	p1 =	slt.u32 s9, $0xF7A;
	s5 =	simm.s32 @!p2 $0x0  }
0x1d: {  	s5 =	simm.s32 @p1 $0x1;
	p0 =	seq.s32 s7, s2  }
0x1e: {  	s7 =	smul.u32 @!p0 $0xF7A, s2;
	p2 =	seq.s32 @!p0 s5, $0x0  }
0x1f: {  	s9 =	smul.u32 $0xF7A, s1;
	s8 =	simm.s32 @!p0 $0x1BF5;
	p2 =	por !p2, p0  }
0x20: {  	[sflag:s8] =	ssyncset.s32 @!p0 $0xFFFFF086;
	s6 =	sadd.s32 @!p0 s3, s7;
	s7 =	simm.s32 @!p0 $0x108  }
0x21: {  	s3 =	sadd.s32 s3, s9;
	s6 =	sadd.s32 @!p0 $0x88, s6;
	s7 =	simm.s32 @p2 $0x1082  }
0x22: {  	[simem:s7], [sflag:s8] =	dma.local @!p0 [hbm:s6], $0xF7A  }
0x23: {  	s9 =	sor.u32 $0xD0000000, s2;
	s6 =	simm.s32 $0x108;
	_ =	swait.ge @!p0 [sflag:s8], $0x0  }
0x24: {  	s3 =	sadd.s32 $0x88, s3;
	s6 =	simm.s32 @!p1 $0x1082;
	[sflag:s4] =	ssyncset.s32 $0xFFFFF086  }
0x25: {  	[simem:s6], [sflag:s4] =	dma.local [hbm:s3], $0xF7A  }
0x26: {  	[smem:$0x3F9F] =	sst s1;
	(tag) =	ssettag s2;
	_ =	strace s9  }
0x27: {  	s1 =	sld [smem:$0x3FAF]  }
0x28: {  	s2 =	sld [smem:$0x3FB0]  }
0x29: {  	s4 =	sld [smem:$0x3FB2]  }
0x2a: {  	p0 =	seq.s32 s5, $0x0;
	s5 =	sld [smem:$0x3FB3]  }
0x2b: {  	s6 =	sld [smem:$0x3FB4]  }
0x2c: {  	s7 =	sld [smem:$0x3FB5]  }
0x2d: {  	s3 =	simm.s32 $0x108;
	s8 =	sld [smem:$0x3FB6]  }
0x2e: {  	s3 =	simm.s32 @!p0 $0x1082;
	s9 =	sld [smem:$0x3FB7]  }
0x2f: {  	lr =	sadd.s32 s0, s3;
	s0 =	sld [smem:$0x3FAE]  }
0x30: {  	s3 =	sld [smem:$0x3FB1]  }
0x31: {  	[smem:$0x3FBA] =	sst s10  }
0x32: {  	s10 =	sld [smem:$0x3FB8];
	_ =	sdelay $0x3  }
0x33: {  	p0 =	seq.s32 s10, $0x1;
	s10 =	sld [smem:$0x3FBA];
	_ =	sdelay $0x3  }
0x34: {  	[smem:$0x3FBA] =	sst s10  }
0x35: {  	s10 =	sld [smem:$0x3FB9];
	_ =	sdelay $0x3  }
0x36: {  	p1 =	seq.s32 s10, $0x1;
	s10 =	sld [smem:$0x3FBA];
	_ =	sdelay $0x3  }
0x37: {  	[smem:$0x3FBA] =	sst s10  }
0x38: {  	s10 =	sld [smem:$0x3FBB]  }
0x39: {  	_ = 	snop;
	(pc) =	sbr.ind lr, $3  }
0x3a: {  	_ = 	snop  }
0x3b: {  	_ = 	snop  }
0x3c: {  	p2 =	seq.s32 s10, $0x1;
	s10 =	sld [smem:$0x3FBA]  }
0x3d: {  	_ =	shalt  }
0x3e: {  	_ =	shalt  }
0x3f: {  	_ =	shalt  }
0x40: {  	_ =	shalt  }
0x41: {  	_ =	shalt  }
0x42: {  	_ =	shalt  }
0x43: {  	_ =	shalt  }
0x44: {  	_ =	shalt  }
0x45: {  	_ =	shalt  }
0x46: {  	_ =	shalt  }
0x47: {  	_ =	shalt  }
0x48: {  	_ =	shalt  }
0x49: {  	_ =	shalt  }
0x4a: {  	_ =	shalt  }
0x4b: {  	_ =	shalt  }
0x4c: {  	_ =	shalt  }
0x4d: {  	_ =	shalt  }
0x4e: {  	_ =	shalt  }
0x4f: {  	_ =	shalt  }
0x50: {  	_ =	shalt  }
0x51: {  	_ =	shalt  }
0x52: {  	_ =	shalt  }
0x53: {  	_ =	shalt  }
0x54: {  	_ =	shalt  }
0x55: {  	_ =	shalt  }
0x56: {  	_ =	shalt  }
0x57: {  	_ =	shalt  }
0x58: {  	_ =	shalt  }
0x59: {  	_ =	shalt  }
0x5a: {  	_ =	shalt  }
0x5b: {  	_ =	shalt  }
0x5c: {  	_ =	shalt  }
0x5d: {  	_ =	shalt  }
0x5e: {  	_ =	shalt  }
0x5f: {  	_ =	shalt  }
0x60: {  	_ =	shalt  }
0x61: {  	_ =	shalt  }
0x62: {  	_ =	shalt  }
0x63: {  	_ =	shalt  }
0x64: {  	_ =	shalt  }
0x65: {  	_ =	shalt  }
0x66: {  	_ =	shalt  }
0x67: {  	_ =	shalt  }
0x68: {  	_ =	shalt  }
0x69: {  	_ =	shalt  }
0x6a: {  	_ =	shalt  }
0x6b: {  	_ =	shalt  }
0x6c: {  	_ =	shalt  }
0x6d: {  	_ =	shalt  }
0x6e: {  	_ =	shalt  }
0x6f: {  	_ =	shalt  }
0x70: {  	_ =	shalt  }
0x71: {  	_ =	shalt  }
0x72: {  	_ =	shalt  }
0x73: {  	_ =	shalt  }
0x74: {  	_ =	shalt  }
0x75: {  	_ =	shalt  }
0x76: {  	_ =	shalt  }
0x77: {  	_ =	shalt  }
0x78: {  	_ =	shalt  }
0x79: {  	_ =	shalt  }
0x7a: {  	_ =	shalt  }
0x7b: {  	_ =	shalt  }
0x7c: {  	_ =	shalt  }
0x7d: {  	_ =	shalt  }
0x7e: {  	_ =	shalt  }
0x7f: {  	_ =	shalt  }
0x80: {  	_ =	shalt  }
0x81: {  	_ =	shalt  }
0x82: {  	_ =	shalt  }
0x83: {  	_ =	shalt  }
0x84: {  	_ =	shalt  }
0x85: {  	_ =	shalt  }
0x86: {  	_ =	shalt  }
0x87: {  	_ =	shalt  }
.Lfunc_end0:
.L_simem_size_0:
called_computation.1_lowered:
.L_overlay_start_0:
0x88: {  	s2 =	sld [smem:$0x3FD9]  }
0x89: {  	s3 =	sld [smem:$0x3FFE];
	_ =	sdelay $0x1  }
0x8a: {  	s1 =	srdreg.scid  }
0x8b: {  	s0 =	sand.u32 $0x1, s1  }
0x8c: {  	s17 =	sshll.u32 s0, $0xA;
	s2 =	sadd.s32 s3, s2  }
0x8d: {  	s2 =	sadd.s32 s2, s17  }
0x8e: {  	[smem:$0x3FC6] =	sst s2  }
0x8f: {  	_ = 	snop  }
0x90: {  	s2 =	sld [smem:$0x3FD0];
	(tm) =	ssettm $0x1  }
0x91: {  	s18 =	sld [smem:$0x3FFB];
	_ =	sdelay $0x3  }
0x92: {  	_ =	strace s18  }
0x93: {  	s3 =	sld [smem:$0x3FFC];
	_ =	sdelay $0x3  }
0x94: {  	_ =	strace s3  }
0x95: {  	s3 =	sld [smem:$0x3FFD];
	_ =	sdelay $0x3  }
0x96: {  	_ =	strace s3  }
0x97: {  	_ =	strace $0x8FFFFFFF  }
0x98: {  	s19 =	sld [smem:$0x3FDB];
	_ =	sdelay $0x1  }
0x99: {  	s4 =	simm.s32 $_scs_section_size  }
0x9a: {  	s5 =	simm.s32 $_size__tile_overlayer_lowered;
	s6 =	simm.s32 $_tile_overlayer_lowered  }
0x9b: {  	s22 =	simm.s32 $0x1BFF;
	s21 =	sshll.u32 s6, $0x1;
	s3 =	sadd.s32 s4, s19  }
0x9c: {  	s7 =	simm.s32 $0x0;
	s20 =	sshll.u32 s5, $0x1;
	s5 =	sadd.s32 s21, s3  }
0x9d: {  	[timem:s7], [sflag:s22] =	dma.local [hbm:s5], s20  }
0x9e: {  	_ =	swait.ge [sflag:s22], s20  }
0x9f: {  	s4 =	ssub.s32 $0x0, s20;
	[sflag:s22] =	ssyncset.done $0x0  }
0xa0: {  	[sflag:s22] =	ssyncadd.s32 s4;
	_ =	sdelay $0x1  }
0xa1: {  	s23 =	simm.s32 $0x1B8B  }
0xa2: {  	_ =	swait.ge [sflag:s23], $0x1  }
0xa3: {  	[sflag:s23] =	ssyncset.done $0x0  }
0xa4: {  	s25 =	simm.s32 $0x1B8E;
	s24 =	sld [smem:$0x3FFE];
	[sflag:s23] =	ssyncadd.s32 $0xFFFFFFFF  }
0xa5: {  	s26 =	simm.s32 $execute0_lowered;
	[smem:$0x3FD2] =	sst s25  }
0xa6: {  	s5 =	sshll.u32 s26, $0x1;
	_ =	strace $0x80000046;
	[dreg:$0x1] =	wrdreg $0xFFFFFFFF  }
0xa7: {  	s28 =	simm.s32 $_size_execute0_lowered;
	s3 =	sadd.s32 s3, s5;
	[dreg:$0x0] =	wrdreg $0x0  }
0xa8: {  	s5 =	sshll.u32 s28, $0x1;
	[dreg:$0x2] =	wrdreg s3  }
0xa9: {  	[dreg:$0x3] =	wrdreg s5  }
0xaa: {  	[dreg:$0x4] =	wrdreg $0xC0  }
0xab: {  	_ =	task [dreg:s7], $0x5FFFF  }
0xac: {  	[dreg:$0x1] =	wrdreg $0xFFFFFFFF  }
0xad: {  	[dreg:$0x0] =	wrdreg $0x60  }
0xae: {  	[dreg:$0x2] =	wrdreg s24  }
0xaf: {  	[dreg:$0x3] =	wrdreg s2  }
0xb0: {  	[dreg:$0x4] =	wrdreg $0x9  }
0xb1: {  	_ =	task.clear_ibuf [dreg:s7], $0x5FFFF;
	_ =	strace $0x90000046  }
0xb2: {  	s29 =	simm.s32 $0x9;
	_ =	strace $0x80000048  }
0xb3: {  	_ =	swait.ge [sflag:s29], $0x1  }
0xb4: {  	[sflag:s29] =	ssyncadd.s32 $0xFFFFFFFF  }
0xb5: {  	_ =	strace $0x90000048  }
0xb6: {  	_ =	sfence  }
0xb7: {  	s30 =	sld [smem:$0x0];
	_ =	sdelay $0x2  }
0xb8: {  	s31 =	sshll.u32 s1, $0xD;
	s1 =	sshrl.u32 s1, $0x2  }
0xb9: {  	s3 =	sand.u32 $0x4000, s31;
	s1 =	sadd.s32 s1, s30  }
0xba: {  	s0 =	sor.u32 s3, s0;
	s1 =	sshll.u32 s1, $0x11  }
0xbb: {  	s0 =	sor.u32 s1, s0  }
0xbc: {  	s0 =	sadd.s32 $0x8F2B, s0  }
0xbd: {  	[sflag:s0] =	ssyncadd.remote.s32 $0x1  }
0xbe: {  	_ =	sfence.sel $0xFFFF  }
0xbf: {  	[dreg:$0x0] =	wrdreg $0xFFFFFFFF;
	(pc) =	sbr.abs _section_cstart, $3  }
0xc0: {  	[dreg:$0x1] =	wrdreg $0xFFFFFFFF  }
0xc1: {  	_ =	task.clear_ibuf [dreg:s7], $0x2FFFF;
	_ =	strace $0x9FFFFFFF  }
0xc2: {  	(tm) =	ssettm $0x7FFFFFFF  }
0xc3: {  	_ =	shalt  }
tec
execute0_lowered:
.L_overlay_start_1:
0x0: {  	(tag) =	ssettag $0x1  }
0x1: {  	s0 =	srdreg.scid;
	s1 =	rddreg [dreg:$0x0]  }
0x2: {  	s6 =	stileid.u32;
	s7 =	rddreg [dreg:$0x1];
	s2 =	simm.s32 $0x0  }
0x3: {  	s9 =	simm.s32 $0x4000;
	s10 =	simm.s32 $0x3;
	s11 =	simm.s32 $0x3200  }
0x4: {  	s12 =	simm.s32 $0x32;
	s13 =	simm.s32 $0xA200;
	s20 =	simm.s32 $0x11280  }
0x5: {  	v0 =	vlaneseq.u32;
	s21 =	simm.s32 $0x11F00;
	s22 =	simm.s32 $0x12B80;
	s23 =	simm.s32 $0x13800  }
0x6: {  	s24 =	simm.s32 $0x14480;
	s25 =	simm.s32 $0x15100;
	[smem:$0x7FF] =	sst s2;
	v0 =	vmul.u32 $0x38, v0  }
0x7: {  	s26 =	simm.s32 $0x15D80;
	_ =	strace $0x80000047;
	[dreg:$0x3] =	wrdreg s20  }
0x8: {  	s28 =	simm.s32 $0xF980;
	s29 =	simm.s32 $0x10600;
	[dreg:$0x4] =	wrdreg s21;
	v1 =	vadd.s32 $0x380, v0  }
0x9: {  	s30 =	simm.s32 $0x1;
	s31 =	simm.s32 $0x2;
	[dreg:$0x5] =	wrdreg s22;
	v2 =	vadd.s32 $0x700, v0;
	v3 =	vadd.s32 $0xA80, v0;
	v4 =	vadd.s32 $0xE00, v0  }
0xa: {  	s0 =	sand.u32 $0x1, s0;
	s3 =	sshll.u32 s6, $0xA;
	[dreg:$0x6] =	wrdreg s23;
	v5 =	vadd.s32 $0x1180, v0;
	v6 =	vadd.s32 $0x1500, v0;
	v7 =	vadd.s32 $0x1880, v0  }
0xb: {  	s8 =	smul.u32 $0x64000, s6;
	s4 =	sshll.u32 s0, $0x9;
	[dreg:$0x7] =	wrdreg s24;
	v8 =	vor.u32 $0x1C00, v0;
	v9 =	vadd.s32 $0x1F80, v0;
	v10 =	vadd.s32 $0x2300, v0  }
0xc: {  	s17 =	ssub.s32 $0x2, s0;
	s0 =	smul.u32 $0x32000, s0;
	[dreg:$0x8] =	wrdreg s25;
	v11 =	vadd.s32 $0x2680, v0;
	v12 =	vadd.s32 $0x2A00, v0;
	v13 =	vadd.s32 $0x2D80, v0  }
0xd: {  	s23 =	simm.s32 $0xE080;
	s24 =	simm.s32 $0x3350;
	[dreg:$0x9] =	wrdreg s26;
	v14 =	vadd.s32 $0x3100, v0;
	v15 =	vadd.s32 $0x3480, v0;
	v16 =	vor.u32 $0x3800, v0  }
0xe: {  	s25 =	simm.s32 $0xED00;
	s26 =	simm.s32 $0x3388;
	s3 =	sor.u32 s4, s3;
	v17 =	vadd.s32 $0x3B80, v0;
	v18 =	vadd.s32 $0x3F00, v0;
	v19 =	vadd.s32 $0x4280, v0  }
0xf: {  	s18 =	sshrl.u32 s17, $0x1;
	s19 =	sadd.s32 s8, s7;
	v20 =	vadd.s32 $0x4600, v0;
	v21 =	vadd.s32 $0x4980, v0;
	v22 =	vadd.s32 $0x4D00, v0;
	s3 =	sshrl.u32 s3, $0x3  }
0x10: {  	s8 =	simm.s32 $0x100;
	v23 =	vadd.s32 $0x5080, v0;
	v24 =	vor.u32 $0x5400, v0;
	v25 =	vadd.s32 $0x5780, v0;
	s7 =	sadd.s32 s0, s19;
	s5 =	sadd.s32 s3, s1  }
0x11: {  	v26 =	vadd.s32 $0x5B00, v0;
	v27 =	vadd.s32 $0x5E80, v0;
	v28 =	vadd.s32 $0x6200, v0;
	s3 =	sadd.s32 $0xF42E00, s1;
	s1 =	ssub.s32 s17, s18;
	s4 =	sadd.s32 $0xA00, s5  }
0x12: {  	v29 =	vadd.s32 $0x6580, v0;
	v30 =	vadd.s32 $0x6900, v0;
	v31 =	vadd.s32 $0x6C80, v0;
	s5 =	sadd.s32 $0xA20, s5;
	s6 =	smax.u32 s1, $0x1;
	s1 =	simm.s32 $0x0  }
.LBB2_1:
0x13: {  	[tilespmem:s2], [sflag:$0x3] =	stream.strided.gather [hbm4b:s4+s8], $0x3200, s9, s8, $0x38;
	[tilespmem:$0x16A00] =	vst v63  }
0x14: {  	_ =	swait.ge [sflag:s10], $0x3200  }
0x15: {  	[sflag:s10] =	ssyncset.done $0x0  }
0x16: {  	[sflag:s10] =	ssyncadd.s32 $0xFFFFCE00  }
0x17: {  	s0 =	simm.s32 $0x1;
	v33 =	vadd.s32 s2, v0;
	s14 =	simm.s32 $0x0;
	v32 =	vld [tilespmem:s2+$0x0]  }
.LBB2_2:
0x18: {  	p0 =	sne.s32 s0, $0x31  }
.Ltmp0:
0x19: {  	_ = 	snop;
	(pc) =	sbr.rel @p0 .LBB2_2-.Ltmp0, $3  }
0x1a: {  	_ =	sdelay $0x1  }
0x1b: {  	s14 =	sadd.s32 $0x100, s14;
	s15 =	smov.u32 s0;
	s0 =	sadd.s32 $0x1, s0;
	[tilespmem:v33+s11+$0x0] =	vst.idx.msk $0xffff, v32  }
0x1c: {  	v33 =	vadd.s32 s15, v0;
	v32 =	vld [tilespmem:s14+$0x0]  }
0x1d: {  	_ =	sdelay $0x3  }
0x1e: {  	s0 =	simm.s32 $0x0;
	s14 =	simm.s32 $0x10;
	[tilespmem:v33+s11+$0x0] =	vst.idx.msk $0xffff, v32  }
0x1f: {  	s15 =	simm.s32 $0x1;
	v33 =	vadd.s32 s0, v1;
	v32 =	vld [tilespmem:s14+$0x0]  }
.LBB2_4:
0x20: {  	p0 =	sne.s32 s15, $0x31  }
.Ltmp1:
0x21: {  	_ = 	snop;
	(pc) =	sbr.rel @p0 .LBB2_4-.Ltmp1, $3  }
0x22: {  	_ =	sdelay $0x1  }
0x23: {  	s14 =	sadd.s32 $0x100, s14;
	s16 =	smov.u32 s15;
	s15 =	sadd.s32 $0x1, s15;
	[tilespmem:v33+s11+$0x0] =	vst.idx.msk $0xffff, v32  }
0x24: {  	v33 =	vadd.s32 s16, v1;
	v32 =	vld [tilespmem:s14+$0x0]  }
0x25: {  	_ =	sdelay $0x3  }
0x26: {  	s14 =	simm.s32 $0x20;
	[tilespmem:v33+s11+$0x0] =	vst.idx.msk $0xffff, v32  }
0x27: {  	s15 =	simm.s32 $0x1;
	v33 =	vadd.s32 s0, v2;
	v32 =	vld [tilespmem:s14+$0x0]  }
.LBB2_6:
0x28: {  	p0 =	sne.s32 s15, $0x31  }
.Ltmp2:
0x29: {  	_ = 	snop;
	(pc) =	sbr.rel @p0 .LBB2_6-.Ltmp2, $3  }
0x2a: {  	_ =	sdelay $0x1  }
0x2b: {  	s14 =	sadd.s32 $0x100, s14;
	s0 =	smov.u32 s15;
	s15 =	sadd.s32 $0x1, s15;
	[tilespmem:v33+s11+$0x0] =	vst.idx.msk $0xffff, v32  }
0x2c: {  	v33 =	vadd.s32 s0, v2;
	v32 =	vld [tilespmem:s14+$0x0]  }
0x2d: {  	_ =	sdelay $0x3  }
0x2e: {  	s0 =	simm.s32 $0x0;
	s14 =	simm.s32 $0x30;
	[tilespmem:v33+s11+$0x0] =	vst.idx.msk $0xffff, v32  }
0x2f: {  	s15 =	simm.s32 $0x1;
	v33 =	vadd.s32 s0, v3;
	v32 =	vld [tilespmem:s14+$0x0]  }
.LBB2_8:
0x30: {  	p0 =	sne.s32 s15, $0x31  }
.Ltmp3:
0x31: {  	_ = 	snop;
	(pc) =	sbr.rel @p0 .LBB2_8-.Ltmp3, $3  }
0x32: {  	_ =	sdelay $0x1  }
0x33: {  	s14 =	sadd.s32 $0x100, s14;
	s16 =	smov.u32 s15;
	s15 =	sadd.s32 $0x1, s15;
	[tilespmem:v33+s11+$0x0] =	vst.idx.msk $0xffff, v32  }
0x34: {  	v33 =	vadd.s32 s16, v3;
	v32 =	vld [tilespmem:s14+$0x0]  }
0x35: {  	_ =	sdelay $0x3  }
0x36: {  	s14 =	simm.s32 $0x40;
	[tilespmem:v33+s11+$0x0] =	vst.idx.msk $0xffff, v32  }
0x37: {  	s15 =	simm.s32 $0x1;
	v33 =	vadd.s32 s0, v4;
	v32 =	vld [tilespmem:s14+$0x0]  }
.LBB2_10:
0x38: {  	p0 =	sne.s32 s15, $0x31  }
.Ltmp4:
0x39: {  	_ = 	snop;
	(pc) =	sbr.rel @p0 .LBB2_10-.Ltmp4, $3  }
0x3a: {  	_ =	sdelay $0x1  }
0x3b: {  	s14 =	sadd.s32 $0x100, s14;
	s0 =	smov.u32 s15;
	s15 =	sadd.s32 $0x1, s15;
	[tilespmem:v33+s11+$0x0] =	vst.idx.msk $0xffff, v32  }
0x3c: {  	v33 =	vadd.s32 s0, v4;
	v32 =	vld [tilespmem:s14+$0x0]  }
0x3d: {  	_ =	sdelay $0x3  }
0x3e: {  	s0 =	simm.s32 $0x0;
	s14 =	simm.s32 $0x50;
	[tilespmem:v33+s11+$0x0] =	vst.idx.msk $0xffff, v32  }
0x3f: {  	s15 =	simm.s32 $0x1;
	v33 =	vadd.s32 s0, v5;
	v32 =	vld [tilespmem:s14+$0x0]  }
.LBB2_12:
0x40: {  	p0 =	sne.s32 s15, $0x31  }
.Ltmp5:
0x41: {  	_ = 	snop;
	(pc) =	sbr.rel @p0 .LBB2_12-.Ltmp5, $3  }
0x42: {  	_ =	sdelay $0x1  }
0x43: {  	s14 =	sadd.s32 $0x100, s14;
	s16 =	smov.u32 s15;
	s15 =	sadd.s32 $0x1, s15;
	[tilespmem:v33+s11+$0x0] =	vst.idx.msk $0xffff, v32  }
0x44: {  	v33 =	vadd.s32 s16, v5;
	v32 =	vld [tilespmem:s14+$0x0]  }
0x45: {  	_ =	sdelay $0x3  }
0x46: {  	s14 =	simm.s32 $0x60;
	[tilespmem:v33+s11+$0x0] =	vst.idx.msk $0xffff, v32  }
0x47: {  	s15 =	simm.s32 $0x1;
	v33 =	vadd.s32 s0, v6;
	v32 =	vld [tilespmem:s14+$0x0]  }
.LBB2_14:
0x48: {  	p0 =	sne.s32 s15, $0x31  }
.Ltmp6:
0x49: {  	_ = 	snop;
	(pc) =	sbr.rel @p0 .LBB2_14-.Ltmp6, $3  }
0x4a: {  	_ =	sdelay $0x1  }
0x4b: {  	s14 =	sadd.s32 $0x100, s14;
	s0 =	smov.u32 s15;
	s15 =	sadd.s32 $0x1, s15;
	[tilespmem:v33+s11+$0x0] =	vst.idx.msk $0xffff, v32  }
0x4c: {  	v33 =	vadd.s32 s0, v6;
	v32 =	vld [tilespmem:s14+$0x0]  }
0x4d: {  	_ =	sdelay $0x3  }
0x4e: {  	s0 =	simm.s32 $0x0;
	s14 =	simm.s32 $0x70;
	[tilespmem:v33+s11+$0x0] =	vst.idx.msk $0xffff, v32  }
0x4f: {  	s15 =	simm.s32 $0x1;
	v33 =	vadd.s32 s0, v7;
	v32 =	vld [tilespmem:s14+$0x0]  }
.LBB2_16:
0x50: {  	p0 =	sne.s32 s15, $0x31  }
.Ltmp7:
0x51: {  	_ = 	snop;
	(pc) =	sbr.rel @p0 .LBB2_16-.Ltmp7, $3  }
0x52: {  	_ =	sdelay $0x1  }
0x53: {  	s14 =	sadd.s32 $0x100, s14;
	s16 =	smov.u32 s15;
	s15 =	sadd.s32 $0x1, s15;
	[tilespmem:v33+s11+$0x0] =	vst.idx.msk $0xffff, v32  }
0x54: {  	v33 =	vadd.s32 s16, v7;
	v32 =	vld [tilespmem:s14+$0x0]  }
0x55: {  	_ =	sdelay $0x3  }
0x56: {  	s14 =	simm.s32 $0x80;
	[tilespmem:v33+s11+$0x0] =	vst.idx.msk $0xffff, v32  }
0x57: {  	s15 =	simm.s32 $0x1;
	v33 =	vadd.s32 s0, v8;
	v32 =	vld [tilespmem:s14+$0x0]  }
.LBB2_18:
0x58: {  	p0 =	sne.s32 s15, $0x31  }
.Ltmp8:
0x59: {  	_ = 	snop;
	(pc) =	sbr.rel @p0 .LBB2_18-.Ltmp8, $3  }
0x5a: {  	_ =	sdelay $0x1  }
0x5b: {  	s14 =	sadd.s32 $0x100, s14;
	s0 =	smov.u32 s15;
	s15 =	sadd.s32 $0x1, s15;
	[tilespmem:v33+s11+$0x0] =	vst.idx.msk $0xffff, v32  }
0x5c: {  	v33 =	vadd.s32 s0, v8;
	v32 =	vld [tilespmem:s14+$0x0]  }
0x5d: {  	_ =	sdelay $0x3  }
0x5e: {  	s0 =	simm.s32 $0x0;
	s14 =	simm.s32 $0x90;
	[tilespmem:v33+s11+$0x0] =	vst.idx.msk $0xffff, v32  }
0x5f: {  	s15 =	simm.s32 $0x1;
	v33 =	vadd.s32 s0, v9;
	v32 =	vld [tilespmem:s14+$0x0]  }
.LBB2_20:
0x60: {  	p0 =	sne.s32 s15, $0x31  }
.Ltmp9:
0x61: {  	_ = 	snop;
	(pc) =	sbr.rel @p0 .LBB2_20-.Ltmp9, $3  }
0x62: {  	_ =	sdelay $0x1  }
0x63: {  	s14 =	sadd.s32 $0x100, s14;
	s16 =	smov.u32 s15;
	s15 =	sadd.s32 $0x1, s15;
	[tilespmem:v33+s11+$0x0] =	vst.idx.msk $0xffff, v32  }
0x64: {  	v33 =	vadd.s32 s16, v9;
	v32 =	vld [tilespmem:s14+$0x0]  }
0x65: {  	_ =	sdelay $0x3  }
0x66: {  	s14 =	simm.s32 $0xA0;
	[tilespmem:v33+s11+$0x0] =	vst.idx.msk $0xffff, v32  }
0x67: {  	s15 =	simm.s32 $0x1;
	v33 =	vadd.s32 s0, v10;
	v32 =	vld [tilespmem:s14+$0x0]  }
.LBB2_22:
0x68: {  	p0 =	sne.s32 s15, $0x31  }
.Ltmp10:
0x69: {  	_ = 	snop;
	(pc) =	sbr.rel @p0 .LBB2_22-.Ltmp10, $3  }
0x6a: {  	_ =	sdelay $0x1  }
0x6b: {  	s14 =	sadd.s32 $0x100, s14;
	s0 =	smov.u32 s15;
	s15 =	sadd.s32 $0x1, s15;
	[tilespmem:v33+s11+$0x0] =	vst.idx.msk $0xffff, v32  }
0x6c: {  	v33 =	vadd.s32 s0, v10;
	v32 =	vld [tilespmem:s14+$0x0]  }
0x6d: {  	_ =	sdelay $0x3  }
0x6e: {  	s0 =	simm.s32 $0x0;
	s14 =	simm.s32 $0xB0;
	[tilespmem:v33+s11+$0x0] =	vst.idx.msk $0xffff, v32  }
0x6f: {  	s15 =	simm.s32 $0x1;
	v33 =	vadd.s32 s0, v11;
	v32 =	vld [tilespmem:s14+$0x0]  }
.LBB2_24:
0x70: {  	p0 =	sne.s32 s15, $0x31  }
.Ltmp11:
0x71: {  	_ = 	snop;
	(pc) =	sbr.rel @p0 .LBB2_24-.Ltmp11, $3  }
0x72: {  	_ =	sdelay $0x1  }
0x73: {  	s14 =	sadd.s32 $0x100, s14;
	s16 =	smov.u32 s15;
	s15 =	sadd.s32 $0x1, s15;
	[tilespmem:v33+s11+$0x0] =	vst.idx.msk $0xffff, v32  }
0x74: {  	v33 =	vadd.s32 s16, v11;
	v32 =	vld [tilespmem:s14+$0x0]  }
0x75: {  	_ =	sdelay $0x3  }
0x76: {  	s14 =	simm.s32 $0xC0;
	[tilespmem:v33+s11+$0x0] =	vst.idx.msk $0xffff, v32  }
0x77: {  	s15 =	simm.s32 $0x1;
	v33 =	vadd.s32 s0, v12;
	v32 =	vld [tilespmem:s14+$0x0]  }
.LBB2_26:
0x78: {  	p0 =	sne.s32 s15, $0x31  }
.Ltmp12:
0x79: {  	_ = 	snop;
	(pc) =	sbr.rel @p0 .LBB2_26-.Ltmp12, $3  }
0x7a: {  	_ =	sdelay $0x1  }
0x7b: {  	s14 =	sadd.s32 $0x100, s14;
	s0 =	smov.u32 s15;
	s15 =	sadd.s32 $0x1, s15;
	[tilespmem:v33+s11+$0x0] =	vst.idx.msk $0xffff, v32  }
0x7c: {  	v33 =	vadd.s32 s0, v12;
	v32 =	vld [tilespmem:s14+$0x0]  }
0x7d: {  	_ =	sdelay $0x3  }
0x7e: {  	s0 =	simm.s32 $0x0;
	s14 =	simm.s32 $0xD0;
	[tilespmem:v33+s11+$0x0] =	vst.idx.msk $0xffff, v32  }
0x7f: {  	s15 =	simm.s32 $0x1;
	v33 =	vadd.s32 s0, v13;
	v32 =	vld [tilespmem:s14+$0x0]  }
.LBB2_28:
0x80: {  	p0 =	sne.s32 s15, $0x31  }
.Ltmp13:
0x81: {  	_ = 	snop;
	(pc) =	sbr.rel @p0 .LBB2_28-.Ltmp13, $3  }
0x82: {  	_ =	sdelay $0x1  }
0x83: {  	s14 =	sadd.s32 $0x100, s14;
	s16 =	smov.u32 s15;
	s15 =	sadd.s32 $0x1, s15;
	[tilespmem:v33+s11+$0x0] =	vst.idx.msk $0xffff, v32  }
0x84: {  	v33 =	vadd.s32 s16, v13;
	v32 =	vld [tilespmem:s14+$0x0]  }
0x85: {  	_ =	sdelay $0x3  }
0x86: {  	s14 =	simm.s32 $0xE0;
	[tilespmem:v33+s11+$0x0] =	vst.idx.msk $0xffff, v32  }
0x87: {  	s15 =	simm.s32 $0x1;
	v33 =	vadd.s32 s0, v14;
	v32 =	vld [tilespmem:s14+$0x0]  }
.LBB2_30:
0x88: {  	p0 =	sne.s32 s15, $0x31  }
.Ltmp14:
0x89: {  	_ = 	snop;
	(pc) =	sbr.rel @p0 .LBB2_30-.Ltmp14, $3  }
0x8a: {  	_ =	sdelay $0x1  }
0x8b: {  	s14 =	sadd.s32 $0x100, s14;
	s0 =	smov.u32 s15;
	s15 =	sadd.s32 $0x1, s15;
	[tilespmem:v33+s11+$0x0] =	vst.idx.msk $0xffff, v32  }
0x8c: {  	v33 =	vadd.s32 s0, v14;
	v32 =	vld [tilespmem:s14+$0x0]  }
0x8d: {  	_ =	sdelay $0x3  }
0x8e: {  	s15 =	simm.s32 $0x0;
	s0 =	simm.s32 $0xF0;
	[tilespmem:v33+s11+$0x0] =	vst.idx.msk $0xffff, v32  }
0x8f: {  	s14 =	simm.s32 $0x1;
	v33 =	vadd.s32 s15, v15;
	v32 =	vld [tilespmem:s0+$0x0]  }
.LBB2_32:
0x90: {  	p0 =	sne.s32 s14, $0x31  }
.Ltmp15:
0x91: {  	_ = 	snop;
	(pc) =	sbr.rel @p0 .LBB2_32-.Ltmp15, $3  }
0x92: {  	_ =	sdelay $0x1  }
0x93: {  	s0 =	sadd.s32 $0x100, s0;
	s15 =	smov.u32 s14;
	s14 =	sadd.s32 $0x1, s14;
	[tilespmem:v33+s11+$0x0] =	vst.idx.msk $0xffff, v32  }
0x94: {  	v33 =	vadd.s32 s15, v15;
	v32 =	vld [tilespmem:s0+$0x0]  }
0x95: {  	_ =	sdelay $0x3  }
0x96: {  	s0 =	simm.s32 $0x0;
	[tilespmem:v33+s11+$0x0] =	vst.idx.msk $0xffff, v32  }
0x97: {  	[tilespmem:s0], [sflag:$0x3] =	stream.strided.gather [hbm4b:s5+s8], $0x3200, s9, s8, $0x38;
	[tilespmem:$0x16A00] =	vst v63  }
0x98: {  	_ =	swait.ge [sflag:s10], $0x3200  }
0x99: {  	[sflag:s10] =	ssyncset.done $0x0  }
0x9a: {  	[sflag:s10] =	ssyncadd.s32 $0xFFFFCE00  }
0x9b: {  	s14 =	simm.s32 $0x1;
	s15 =	simm.s32 $0x0;
	v33 =	vadd.s32 s0, v16;
	v32 =	vld [tilespmem:s0+$0x0]  }
.LBB2_34:
0x9c: {  	p0 =	sne.s32 s14, $0x31  }
.Ltmp16:
0x9d: {  	_ = 	snop;
	(pc) =	sbr.rel @p0 .LBB2_34-.Ltmp16, $3  }
0x9e: {  	_ =	sdelay $0x1  }
0x9f: {  	s15 =	sadd.s32 $0x100, s15;
	s16 =	smov.u32 s14;
	s14 =	sadd.s32 $0x1, s14;
	[tilespmem:v33+s11+$0x0] =	vst.idx.msk $0xffff, v32  }
0xa0: {  	v33 =	vadd.s32 s16, v16;
	v32 =	vld [tilespmem:s15+$0x0]  }
0xa1: {  	_ =	sdelay $0x3  }
0xa2: {  	s14 =	simm.s32 $0x10;
	[tilespmem:v33+s11+$0x0] =	vst.idx.msk $0xffff, v32  }
0xa3: {  	s15 =	simm.s32 $0x1;
	v33 =	vadd.s32 s0, v17;
	v32 =	vld [tilespmem:s14+$0x0]  }
.LBB2_36:
0xa4: {  	p0 =	sne.s32 s15, $0x31  }
.Ltmp17:
0xa5: {  	_ = 	snop;
	(pc) =	sbr.rel @p0 .LBB2_36-.Ltmp17, $3  }
0xa6: {  	_ =	sdelay $0x1  }
0xa7: {  	s14 =	sadd.s32 $0x100, s14;
	s0 =	smov.u32 s15;
	s15 =	sadd.s32 $0x1, s15;
	[tilespmem:v33+s11+$0x0] =	vst.idx.msk $0xffff, v32  }
0xa8: {  	v33 =	vadd.s32 s0, v17;
	v32 =	vld [tilespmem:s14+$0x0]  }
0xa9: {  	_ =	sdelay $0x3  }
0xaa: {  	s0 =	simm.s32 $0x0;
	s14 =	simm.s32 $0x20;
	[tilespmem:v33+s11+$0x0] =	vst.idx.msk $0xffff, v32  }
0xab: {  	s15 =	simm.s32 $0x1;
	v33 =	vadd.s32 s0, v18;
	v32 =	vld [tilespmem:s14+$0x0]  }
.LBB2_38:
0xac: {  	p0 =	sne.s32 s15, $0x31  }
.Ltmp18:
0xad: {  	_ = 	snop;
	(pc) =	sbr.rel @p0 .LBB2_38-.Ltmp18, $3  }
0xae: {  	_ =	sdelay $0x1  }
0xaf: {  	s14 =	sadd.s32 $0x100, s14;
	s16 =	smov.u32 s15;
	s15 =	sadd.s32 $0x1, s15;
	[tilespmem:v33+s11+$0x0] =	vst.idx.msk $0xffff, v32  }
0xb0: {  	v33 =	vadd.s32 s16, v18;
	v32 =	vld [tilespmem:s14+$0x0]  }
0xb1: {  	_ =	sdelay $0x3  }
0xb2: {  	s14 =	simm.s32 $0x30;
	[tilespmem:v33+s11+$0x0] =	vst.idx.msk $0xffff, v32  }
0xb3: {  	s15 =	simm.s32 $0x1;
	v33 =	vadd.s32 s0, v19;
	v32 =	vld [tilespmem:s14+$0x0]  }
.LBB2_40:
0xb4: {  	p0 =	sne.s32 s15, $0x31  }
.Ltmp19:
0xb5: {  	_ = 	snop;
	(pc) =	sbr.rel @p0 .LBB2_40-.Ltmp19, $3  }
0xb6: {  	_ =	sdelay $0x1  }
0xb7: {  	s14 =	sadd.s32 $0x100, s14;
	s0 =	smov.u32 s15;
	s15 =	sadd.s32 $0x1, s15;
	[tilespmem:v33+s11+$0x0] =	vst.idx.msk $0xffff, v32  }
0xb8: {  	v33 =	vadd.s32 s0, v19;
	v32 =	vld [tilespmem:s14+$0x0]  }
0xb9: {  	_ =	sdelay $0x3  }
0xba: {  	s0 =	simm.s32 $0x0;
	s14 =	simm.s32 $0x40;
	[tilespmem:v33+s11+$0x0] =	vst.idx.msk $0xffff, v32  }
0xbb: {  	s15 =	simm.s32 $0x1;
	v33 =	vadd.s32 s0, v20;
	v32 =	vld [tilespmem:s14+$0x0]  }
.LBB2_42:
0xbc: {  	p0 =	sne.s32 s15, $0x31  }
.Ltmp20:
0xbd: {  	_ = 	snop;
	(pc) =	sbr.rel @p0 .LBB2_42-.Ltmp20, $3  }
0xbe: {  	_ =	sdelay $0x1  }
0xbf: {  	s14 =	sadd.s32 $0x100, s14;
	s16 =	smov.u32 s15;
	s15 =	sadd.s32 $0x1, s15;
	[tilespmem:v33+s11+$0x0] =	vst.idx.msk $0xffff, v32  }
0xc0: {  	v33 =	vadd.s32 s16, v20;
	v32 =	vld [tilespmem:s14+$0x0]  }
0xc1: {  	_ =	sdelay $0x3  }
0xc2: {  	s14 =	simm.s32 $0x50;
	[tilespmem:v33+s11+$0x0] =	vst.idx.msk $0xffff, v32  }
0xc3: {  	s15 =	simm.s32 $0x1;
	v33 =	vadd.s32 s0, v21;
	v32 =	vld [tilespmem:s14+$0x0]  }
.LBB2_44:
0xc4: {  	p0 =	sne.s32 s15, $0x31  }
.Ltmp21:
0xc5: {  	_ = 	snop;
	(pc) =	sbr.rel @p0 .LBB2_44-.Ltmp21, $3  }
0xc6: {  	_ =	sdelay $0x1  }
0xc7: {  	s14 =	sadd.s32 $0x100, s14;
	s0 =	smov.u32 s15;
	s15 =	sadd.s32 $0x1, s15;
	[tilespmem:v33+s11+$0x0] =	vst.idx.msk $0xffff, v32  }
0xc8: {  	v33 =	vadd.s32 s0, v21;
	v32 =	vld [tilespmem:s14+$0x0]  }
0xc9: {  	_ =	sdelay $0x3  }
0xca: {  	s0 =	simm.s32 $0x0;
	s14 =	simm.s32 $0x60;
	[tilespmem:v33+s11+$0x0] =	vst.idx.msk $0xffff, v32  }
0xcb: {  	s15 =	simm.s32 $0x1;
	v33 =	vadd.s32 s0, v22;
	v32 =	vld [tilespmem:s14+$0x0]  }
.LBB2_46:
0xcc: {  	p0 =	sne.s32 s15, $0x31  }
.Ltmp22:
0xcd: {  	_ = 	snop;
	(pc) =	sbr.rel @p0 .LBB2_46-.Ltmp22, $3  }
0xce: {  	_ =	sdelay $0x1  }
0xcf: {  	s14 =	sadd.s32 $0x100, s14;
	s16 =	smov.u32 s15;
	s15 =	sadd.s32 $0x1, s15;
	[tilespmem:v33+s11+$0x0] =	vst.idx.msk $0xffff, v32  }
0xd0: {  	v33 =	vadd.s32 s16, v22;
	v32 =	vld [tilespmem:s14+$0x0]  }
0xd1: {  	_ =	sdelay $0x3  }
0xd2: {  	s14 =	simm.s32 $0x70;
	[tilespmem:v33+s11+$0x0] =	vst.idx.msk $0xffff, v32  }
0xd3: {  	s15 =	simm.s32 $0x1;
	v33 =	vadd.s32 s0, v23;
	v32 =	vld [tilespmem:s14+$0x0]  }
.LBB2_48:
0xd4: {  	p0 =	sne.s32 s15, $0x31  }
.Ltmp23:
0xd5: {  	_ = 	snop;
	(pc) =	sbr.rel @p0 .LBB2_48-.Ltmp23, $3  }
0xd6: {  	_ =	sdelay $0x1  }
0xd7: {  	s14 =	sadd.s32 $0x100, s14;
	s0 =	smov.u32 s15;
	s15 =	sadd.s32 $0x1, s15;
	[tilespmem:v33+s11+$0x0] =	vst.idx.msk $0xffff, v32  }
0xd8: {  	v33 =	vadd.s32 s0, v23;
	v32 =	vld [tilespmem:s14+$0x0]  }
0xd9: {  	_ =	sdelay $0x3  }
0xda: {  	s0 =	simm.s32 $0x0;
	s14 =	simm.s32 $0x80;
	[tilespmem:v33+s11+$0x0] =	vst.idx.msk $0xffff, v32  }
0xdb: {  	s15 =	simm.s32 $0x1;
	v33 =	vadd.s32 s0, v24;
	v32 =	vld [tilespmem:s14+$0x0]  }
.LBB2_50:
0xdc: {  	p0 =	sne.s32 s15, $0x31  }
.Ltmp24:
0xdd: {  	_ = 	snop;
	(pc) =	sbr.rel @p0 .LBB2_50-.Ltmp24, $3  }
0xde: {  	_ =	sdelay $0x1  }
0xdf: {  	s14 =	sadd.s32 $0x100, s14;
	s16 =	smov.u32 s15;
	s15 =	sadd.s32 $0x1, s15;
	[tilespmem:v33+s11+$0x0] =	vst.idx.msk $0xffff, v32  }
0xe0: {  	v33 =	vadd.s32 s16, v24;
	v32 =	vld [tilespmem:s14+$0x0]  }
0xe1: {  	_ =	sdelay $0x3  }
0xe2: {  	s14 =	simm.s32 $0x90;
	[tilespmem:v33+s11+$0x0] =	vst.idx.msk $0xffff, v32  }
0xe3: {  	s15 =	simm.s32 $0x1;
	v33 =	vadd.s32 s0, v25;
	v32 =	vld [tilespmem:s14+$0x0]  }
.LBB2_52:
0xe4: {  	p0 =	sne.s32 s15, $0x31  }
.Ltmp25:
0xe5: {  	_ = 	snop;
	(pc) =	sbr.rel @p0 .LBB2_52-.Ltmp25, $3  }
0xe6: {  	_ =	sdelay $0x1  }
0xe7: {  	s14 =	sadd.s32 $0x100, s14;
	s0 =	smov.u32 s15;
	s15 =	sadd.s32 $0x1, s15;
	[tilespmem:v33+s11+$0x0] =	vst.idx.msk $0xffff, v32  }
0xe8: {  	v33 =	vadd.s32 s0, v25;
	v32 =	vld [tilespmem:s14+$0x0]  }
0xe9: {  	_ =	sdelay $0x3  }
0xea: {  	s0 =	simm.s32 $0x0;
	s14 =	simm.s32 $0xA0;
	[tilespmem:v33+s11+$0x0] =	vst.idx.msk $0xffff, v32  }
0xeb: {  	s15 =	simm.s32 $0x1;
	v33 =	vadd.s32 s0, v26;
	v32 =	vld [tilespmem:s14+$0x0]  }
.LBB2_54:
0xec: {  	p0 =	sne.s32 s15, $0x31  }
.Ltmp26:
0xed: {  	_ = 	snop;
	(pc) =	sbr.rel @p0 .LBB2_54-.Ltmp26, $3  }
0xee: {  	_ =	sdelay $0x1  }
0xef: {  	s14 =	sadd.s32 $0x100, s14;
	s16 =	smov.u32 s15;
	s15 =	sadd.s32 $0x1, s15;
	[tilespmem:v33+s11+$0x0] =	vst.idx.msk $0xffff, v32  }
0xf0: {  	v33 =	vadd.s32 s16, v26;
	v32 =	vld [tilespmem:s14+$0x0]  }
0xf1: {  	_ =	sdelay $0x3  }
0xf2: {  	s14 =	simm.s32 $0xB0;
	[tilespmem:v33+s11+$0x0] =	vst.idx.msk $0xffff, v32  }
0xf3: {  	s15 =	simm.s32 $0x1;
	v33 =	vadd.s32 s0, v27;
	v32 =	vld [tilespmem:s14+$0x0]  }
.LBB2_56:
0xf4: {  	p0 =	sne.s32 s15, $0x31  }
.Ltmp27:
0xf5: {  	_ = 	snop;
	(pc) =	sbr.rel @p0 .LBB2_56-.Ltmp27, $3  }
0xf6: {  	_ =	sdelay $0x1  }
0xf7: {  	s14 =	sadd.s32 $0x100, s14;
	s0 =	smov.u32 s15;
	s15 =	sadd.s32 $0x1, s15;
	[tilespmem:v33+s11+$0x0] =	vst.idx.msk $0xffff, v32  }
0xf8: {  	v33 =	vadd.s32 s0, v27;
	v32 =	vld [tilespmem:s14+$0x0]  }
0xf9: {  	_ =	sdelay $0x3  }
0xfa: {  	s0 =	simm.s32 $0x0;
	s14 =	simm.s32 $0xC0;
	[tilespmem:v33+s11+$0x0] =	vst.idx.msk $0xffff, v32  }
0xfb: {  	s15 =	simm.s32 $0x1;
	v33 =	vadd.s32 s0, v28;
	v32 =	vld [tilespmem:s14+$0x0]  }
.LBB2_58:
0xfc: {  	p0 =	sne.s32 s15, $0x31  }
.Ltmp28:
0xfd: {  	_ = 	snop;
	(pc) =	sbr.rel @p0 .LBB2_58-.Ltmp28, $3  }
0xfe: {  	_ =	sdelay $0x1  }
0xff: {  	s14 =	sadd.s32 $0x100, s14;
	s16 =	smov.u32 s15;
	s15 =	sadd.s32 $0x1, s15;
	[tilespmem:v33+s11+$0x0] =	vst.idx.msk $0xffff, v32  }
0x100: {  	v33 =	vadd.s32 s16, v28;
	v32 =	vld [tilespmem:s14+$0x0]  }
0x101: {  	_ =	sdelay $0x3  }
0x102: {  	s14 =	simm.s32 $0xD0;
	[tilespmem:v33+s11+$0x0] =	vst.idx.msk $0xffff, v32  }
0x103: {  	s15 =	simm.s32 $0x1;
	v33 =	vadd.s32 s0, v29;
	v32 =	vld [tilespmem:s14+$0x0]  }
.LBB2_60:
0x104: {  	p0 =	sne.s32 s15, $0x31  }
.Ltmp29:
0x105: {  	_ = 	snop;
	(pc) =	sbr.rel @p0 .LBB2_60-.Ltmp29, $3  }
0x106: {  	_ =	sdelay $0x1  }
0x107: {  	s14 =	sadd.s32 $0x100, s14;
	s0 =	smov.u32 s15;
	s15 =	sadd.s32 $0x1, s15;
	[tilespmem:v33+s11+$0x0] =	vst.idx.msk $0xffff, v32  }
0x108: {  	v33 =	vadd.s32 s0, v29;
	v32 =	vld [tilespmem:s14+$0x0]  }
0x109: {  	_ =	sdelay $0x3  }
0x10a: {  	s0 =	simm.s32 $0x0;
	s14 =	simm.s32 $0xE0;
	[tilespmem:v33+s11+$0x0] =	vst.idx.msk $0xffff, v32  }
0x10b: {  	s15 =	simm.s32 $0x1;
	v33 =	vadd.s32 s0, v30;
	v32 =	vld [tilespmem:s14+$0x0]  }
.LBB2_62:
0x10c: {  	p0 =	sne.s32 s15, $0x31  }
.Ltmp30:
0x10d: {  	_ = 	snop;
	(pc) =	sbr.rel @p0 .LBB2_62-.Ltmp30, $3  }
0x10e: {  	_ =	sdelay $0x1  }
0x10f: {  	s14 =	sadd.s32 $0x100, s14;
	s16 =	smov.u32 s15;
	s15 =	sadd.s32 $0x1, s15;
	[tilespmem:v33+s11+$0x0] =	vst.idx.msk $0xffff, v32  }
0x110: {  	v33 =	vadd.s32 s16, v30;
	v32 =	vld [tilespmem:s14+$0x0]  }
0x111: {  	_ =	sdelay $0x3  }
0x112: {  	s14 =	simm.s32 $0xF0;
	[tilespmem:v33+s11+$0x0] =	vst.idx.msk $0xffff, v32  }
0x113: {  	s15 =	simm.s32 $0x1;
	v33 =	vadd.s32 s0, v31;
	v32 =	vld [tilespmem:s14+$0x0]  }
.LBB2_64:
0x114: {  	p0 =	sne.s32 s15, $0x31  }
.Ltmp31:
0x115: {  	_ = 	snop;
	(pc) =	sbr.rel @p0 .LBB2_64-.Ltmp31, $3  }
0x116: {  	_ =	sdelay $0x1  }
0x117: {  	s14 =	sadd.s32 $0x100, s14;
	s0 =	smov.u32 s15;
	s15 =	sadd.s32 $0x1, s15;
	[tilespmem:v33+s11+$0x0] =	vst.idx.msk $0xffff, v32  }
0x118: {  	v33 =	vadd.s32 s0, v31;
	v32 =	vld [tilespmem:s14+$0x0]  }
0x119: {  	_ =	sdelay $0x3  }
0x11a: {  	[tilespmem:v33+s11+$0x0] =	vst.idx.msk $0xffff, v32  }
0x11b: {  	[tilespmem:s13], [sflag:$0x1] =	stream.indirect.gather [hbm4b:s3+s12], $0x40, s11, s12, $0xb8;
	[tilespmem:$0x16A00] =	vst v63  }
0x11c: {  	s0 =	simm.s32 $0x3238;
	s14 =	simm.s32 $0xAE80  }
0x11d: {  	[tilespmem:s14], [sflag:$0x1] =	stream.indirect.gather [hbm4b:s3+s12], $0x40, s0, s12, $0xb8;
	[tilespmem:$0x16A00] =	vst v63  }
0x11e: {  	s17 =	simm.s32 $0x3270;
	s18 =	simm.s32 $0xBB00  }
0x11f: {  	[tilespmem:s18], [sflag:$0x1] =	stream.indirect.gather [hbm4b:s3+s12], $0x40, s17, s12, $0xb8;
	[tilespmem:$0x16A00] =	vst v63  }
0x120: {  	s19 =	simm.s32 $0x32A8;
	s20 =	simm.s32 $0xC780  }
0x121: {  	[tilespmem:s20], [sflag:$0x1] =	stream.indirect.gather [hbm4b:s3+s12], $0x40, s19, s12, $0xb8;
	[tilespmem:$0x16A00] =	vst v63  }
0x122: {  	s21 =	simm.s32 $0x32E0;
	s22 =	simm.s32 $0xD400  }
0x123: {  	[tilespmem:s22], [sflag:$0x1] =	stream.indirect.gather [hbm4b:s3+s12], $0x40, s21, s12, $0xb8;
	[tilespmem:$0x16A00] =	vst v63  }
0x124: {  	s15 =	simm.s32 $0x3318  }
0x125: {  	[tilespmem:s23], [sflag:$0x1] =	stream.indirect.gather [hbm4b:s3+s12], $0x40, s15, s12, $0xb8;
	[tilespmem:$0x16A00] =	vst v63  }
0x126: {  	_ = 	snop  }
0x127: {  	[tilespmem:s25], [sflag:$0x1] =	stream.indirect.gather [hbm4b:s3+s12], $0x40, s24, s12, $0xb8;
	[tilespmem:$0x16A00] =	vst v63  }
0x128: {  	_ = 	snop  }
0x129: {  	[tilespmem:s28], [sflag:$0x1] =	stream.indirect.gather [hbm4b:s3+s12], $0x40, s26, s12, $0xb8;
	[tilespmem:$0x16A00] =	vst v63  }
0x12a: {  	s17 =	simm.s32 $0x33C0  }
0x12b: {  	[tilespmem:s29], [sflag:$0x2] =	stream.indirect.gather [hbm4b:s3+s12], $0x40, s17, s12, $0xb8;
	[tilespmem:$0x16A00] =	vst v63  }
0x12c: {  	s16 =	rddreg [dreg:$0x3];
	s18 =	simm.s32 $0x33F8  }
0x12d: {  	[tilespmem:s16], [sflag:$0x2] =	stream.indirect.gather [hbm4b:s3+s12], $0x40, s18, s12, $0xb8;
	[tilespmem:$0x16A00] =	vst v63  }
0x12e: {  	s19 =	simm.s32 $0x3430;
	s15 =	rddreg [dreg:$0x4]  }
0x12f: {  	[tilespmem:s15], [sflag:$0x2] =	stream.indirect.gather [hbm4b:s3+s12], $0x40, s19, s12, $0xb8;
	[tilespmem:$0x16A00] =	vst v63  }
0x130: {  	s20 =	rddreg [dreg:$0x5];
	s21 =	simm.s32 $0x3468  }
0x131: {  	[tilespmem:s20], [sflag:$0x2] =	stream.indirect.gather [hbm4b:s3+s12], $0x40, s21, s12, $0xb8;
	[tilespmem:$0x16A00] =	vst v63  }
0x132: {  	s14 =	simm.s32 $0x34A0;
	s22 =	rddreg [dreg:$0x6]  }
0x133: {  	[tilespmem:s22], [sflag:$0x2] =	stream.indirect.gather [hbm4b:s3+s12], $0x40, s14, s12, $0xb8;
	[tilespmem:$0x16A00] =	vst v63  }
0x134: {  	s17 =	simm.s32 $0x34D8;
	s16 =	rddreg [dreg:$0x7]  }
0x135: {  	[tilespmem:s16], [sflag:$0x2] =	stream.indirect.gather [hbm4b:s3+s12], $0x40, s17, s12, $0xb8;
	[tilespmem:$0x16A00] =	vst v63  }
0x136: {  	s18 =	rddreg [dreg:$0x8];
	s19 =	simm.s32 $0x3510  }
0x137: {  	[tilespmem:s18], [sflag:$0x2] =	stream.indirect.gather [hbm4b:s3+s12], $0x40, s19, s12, $0xb8;
	[tilespmem:$0x16A00] =	vst v63  }
0x138: {  	s20 =	rddreg [dreg:$0x9];
	s21 =	simm.s32 $0x3548  }
0x139: {  	[tilespmem:s20], [sflag:$0x2] =	stream.indirect.gather [hbm4b:s3+s12], $0x40, s21, s12, $0xb8;
	[tilespmem:$0x16A00] =	vst v63  }
0x13a: {  	_ =	swait.ge [sflag:s30], $0xC80  }
0x13b: {  	[sflag:s30] =	ssyncset.done $0x0  }
0x13c: {  	[sflag:s30] =	ssyncadd.s32 $0xFFFFF380  }
0x13d: {  	_ =	swait.ge [sflag:s30], $0xC80  }
0x13e: {  	[sflag:s30] =	ssyncset.done $0x0  }
0x13f: {  	[sflag:s30] =	ssyncadd.s32 $0xFFFFF380  }
0x140: {  	_ =	swait.ge [sflag:s30], $0xC80  }
0x141: {  	[sflag:s30] =	ssyncset.done $0x0  }
0x142: {  	[sflag:s30] =	ssyncadd.s32 $0xFFFFF380  }
0x143: {  	_ =	swait.ge [sflag:s30], $0xC80  }
0x144: {  	[sflag:s30] =	ssyncset.done $0x0  }
0x145: {  	[sflag:s30] =	ssyncadd.s32 $0xFFFFF380  }
0x146: {  	_ =	swait.ge [sflag:s30], $0xC80  }
0x147: {  	[sflag:s30] =	ssyncset.done $0x0  }
0x148: {  	[sflag:s30] =	ssyncadd.s32 $0xFFFFF380  }
0x149: {  	_ =	swait.ge [sflag:s30], $0xC80  }
0x14a: {  	[sflag:s30] =	ssyncset.done $0x0  }
0x14b: {  	[sflag:s30] =	ssyncadd.s32 $0xFFFFF380  }
0x14c: {  	_ =	swait.ge [sflag:s30], $0xC80  }
0x14d: {  	[sflag:s30] =	ssyncset.done $0x0  }
0x14e: {  	[sflag:s30] =	ssyncadd.s32 $0xFFFFF380  }
0x14f: {  	_ =	swait.ge [sflag:s30], $0xC80  }
0x150: {  	[sflag:s30] =	ssyncset.done $0x0  }
0x151: {  	[sflag:s30] =	ssyncadd.s32 $0xFFFFF380  }
0x152: {  	[hbm4b:s7+s2] =	stream.linear.scatter [tilespmem:s13], [sflag:$0x3], $0x6400, $0x38;
	[tilespmem:$0x16A00] =	vst v63  }
0x153: {  	p0 =	por $0x0, $0x0;
	_ =	swait.ge [sflag:s10], $0x6400  }
0x154: {  	s0 =	simm.s32 @!p0 $0xA200;
	[sflag:s10] =	ssyncset.done $0x0  }
0x155: {  	s15 =	simm.s32 @!p0 $0x32;
	s14 =	simm.s32 @!p0 $0x3580;
	[sflag:s10] =	ssyncadd.s32 $0xFFFF9C00  }
0x156: {  	[tilespmem:s0], [sflag:$0x1] =	stream.indirect.gather @!p0 [hbm4b:s3+s15], $0x40, s14, s15, $0xb8;
	[tilespmem:$0x16A00] =	vst v63  }
0x157: {  	s0 =	simm.s32 @!p0 $0x35B8;
	s14 =	simm.s32 @!p0 $0xAE80  }
0x158: {  	[tilespmem:s14], [sflag:$0x1] =	stream.indirect.gather @!p0 [hbm4b:s3+s15], $0x40, s0, s15, $0xb8;
	[tilespmem:$0x16A00] =	vst v63  }
0x159: {  	s0 =	simm.s32 @!p0 $0x35F0;
	s14 =	simm.s32 @!p0 $0xBB00  }
0x15a: {  	[tilespmem:s14], [sflag:$0x1] =	stream.indirect.gather @!p0 [hbm4b:s3+s15], $0x40, s0, s15, $0xb8;
	[tilespmem:$0x16A00] =	vst v63  }
0x15b: {  	s0 =	simm.s32 @!p0 $0x3628;
	s14 =	simm.s32 @!p0 $0xC780  }
0x15c: {  	[tilespmem:s14], [sflag:$0x1] =	stream.indirect.gather @!p0 [hbm4b:s3+s15], $0x40, s0, s15, $0xb8;
	[tilespmem:$0x16A00] =	vst v63  }
0x15d: {  	s0 =	simm.s32 @!p0 $0x3660;
	s14 =	simm.s32 @!p0 $0xD400  }
0x15e: {  	[tilespmem:s14], [sflag:$0x1] =	stream.indirect.gather @!p0 [hbm4b:s3+s15], $0x40, s0, s15, $0xb8;
	[tilespmem:$0x16A00] =	vst v63  }
0x15f: {  	s0 =	simm.s32 @!p0 $0x3698;
	s14 =	simm.s32 @!p0 $0xE080  }
0x160: {  	[tilespmem:s14], [sflag:$0x1] =	stream.indirect.gather @!p0 [hbm4b:s3+s15], $0x40, s0, s15, $0xb8;
	[tilespmem:$0x16A00] =	vst v63  }
0x161: {  	s0 =	simm.s32 @!p0 $0x36D0;
	s14 =	simm.s32 @!p0 $0xED00  }
0x162: {  	[tilespmem:s14], [sflag:$0x1] =	stream.indirect.gather @!p0 [hbm4b:s3+s15], $0x40, s0, s15, $0xb8;
	[tilespmem:$0x16A00] =	vst v63  }
0x163: {  	s0 =	simm.s32 @!p0 $0x3708;
	s14 =	simm.s32 @!p0 $0xF980  }
0x164: {  	[tilespmem:s14], [sflag:$0x1] =	stream.indirect.gather @!p0 [hbm4b:s3+s15], $0x40, s0, s15, $0xb8;
	[tilespmem:$0x16A00] =	vst v63  }
0x165: {  	_ =	swait.ge [sflag:s31], $0xC80  }
0x166: {  	[sflag:s31] =	ssyncset.done $0x0  }
0x167: {  	[sflag:s31] =	ssyncadd.s32 $0xFFFFF380  }
0x168: {  	_ =	swait.ge [sflag:s31], $0xC80  }
0x169: {  	[sflag:s31] =	ssyncset.done $0x0  }
0x16a: {  	[sflag:s31] =	ssyncadd.s32 $0xFFFFF380  }
0x16b: {  	_ =	swait.ge [sflag:s31], $0xC80  }
0x16c: {  	[sflag:s31] =	ssyncset.done $0x0  }
0x16d: {  	[sflag:s31] =	ssyncadd.s32 $0xFFFFF380  }
0x16e: {  	_ =	swait.ge [sflag:s31], $0xC80  }
0x16f: {  	[sflag:s31] =	ssyncset.done $0x0  }
0x170: {  	[sflag:s31] =	ssyncadd.s32 $0xFFFFF380  }
0x171: {  	_ =	swait.ge [sflag:s31], $0xC80  }
0x172: {  	[sflag:s31] =	ssyncset.done $0x0  }
0x173: {  	[sflag:s31] =	ssyncadd.s32 $0xFFFFF380  }
0x174: {  	_ =	swait.ge [sflag:s31], $0xC80  }
0x175: {  	[sflag:s31] =	ssyncset.done $0x0  }
0x176: {  	[sflag:s31] =	ssyncadd.s32 $0xFFFFF380  }
0x177: {  	_ =	swait.ge [sflag:s31], $0xC80  }
0x178: {  	[sflag:s31] =	ssyncset.done $0x0  }
0x179: {  	[sflag:s31] =	ssyncadd.s32 $0xFFFFF380  }
0x17a: {  	_ =	swait.ge [sflag:s31], $0xC80  }
0x17b: {  	[sflag:s31] =	ssyncset.done $0x0  }
0x17c: {  	s22 =	sadd.s32 $0xC80, s7;
	s17 =	simm.s32 $0x380;
	[sflag:s31] =	ssyncadd.s32 $0xFFFFF380  }
0x17d: {  	[hbm4b:s22+s2] =	stream.linear.scatter [tilespmem:s29], [sflag:$0x3], $0x6400, $0x38;
	[tilespmem:$0x16A00] =	vst v63  }
0x17e: {  	s14 =	simm.s32 $0xE00;
	s15 =	simm.s32 $0x1C00;
	_ =	swait.ge [sflag:s10], $0x6400  }
0x17f: {  	s0 =	sadd.s32 $0x1900, s7;
	s18 =	rddreg [dreg:$0x3];
	[sflag:s10] =	ssyncset.done $0x0  }
.LBB2_66:
0x180: {  	s19 =	sadd.s32 $0x33C0, s17;
	[sflag:s10] =	ssyncadd.s32 $0xFFFF9C00  }
0x181: {  	[tilespmem:s29], [sflag:$0x2] =	stream.indirect.gather [hbm4b:s3+s12], $0x40, s19, s12, $0xb8;
	[tilespmem:$0x16A00] =	vst v63  }
0x182: {  	s21 =	sadd.s32 $0x33F8, s17  }
0x183: {  	[tilespmem:s18], [sflag:$0x2] =	stream.indirect.gather [hbm4b:s3+s12], $0x40, s21, s12, $0xb8;
	[tilespmem:$0x16A00] =	vst v63  }
0x184: {  	s20 =	rddreg [dreg:$0x4];
	s22 =	sadd.s32 $0x3430, s17  }
0x185: {  	[tilespmem:s20], [sflag:$0x2] =	stream.indirect.gather [hbm4b:s3+s12], $0x40, s22, s12, $0xb8;
	[tilespmem:$0x16A00] =	vst v63  }
0x186: {  	s19 =	rddreg [dreg:$0x5];
	s21 =	sadd.s32 $0x3468, s17  }
0x187: {  	[tilespmem:s19], [sflag:$0x2] =	stream.indirect.gather [hbm4b:s3+s12], $0x40, s21, s12, $0xb8;
	[tilespmem:$0x16A00] =	vst v63  }
0x188: {  	s22 =	rddreg [dreg:$0x6];
	s19 =	sadd.s32 $0x34A0, s17  }
0x189: {  	[tilespmem:s22], [sflag:$0x2] =	stream.indirect.gather [hbm4b:s3+s12], $0x40, s19, s12, $0xb8;
	[tilespmem:$0x16A00] =	vst v63  }
0x18a: {  	s21 =	rddreg [dreg:$0x7];
	s22 =	sadd.s32 $0x34D8, s17  }
0x18b: {  	[tilespmem:s21], [sflag:$0x2] =	stream.indirect.gather [hbm4b:s3+s12], $0x40, s22, s12, $0xb8;
	[tilespmem:$0x16A00] =	vst v63  }
0x18c: {  	s20 =	rddreg [dreg:$0x8];
	s21 =	sadd.s32 $0x3510, s17  }
0x18d: {  	[tilespmem:s20], [sflag:$0x2] =	stream.indirect.gather [hbm4b:s3+s12], $0x40, s21, s12, $0xb8;
	[tilespmem:$0x16A00] =	vst v63  }
0x18e: {  	s22 =	rddreg [dreg:$0x9];
	s21 =	sadd.s32 $0x3548, s17  }
0x18f: {  	[tilespmem:s22], [sflag:$0x2] =	stream.indirect.gather [hbm4b:s3+s12], $0x40, s21, s12, $0xb8;
	[tilespmem:$0x16A00] =	vst v63  }
0x190: {  	_ =	swait.ge [sflag:s30], $0xC80  }
0x191: {  	[sflag:s30] =	ssyncset.done $0x0  }
0x192: {  	[sflag:s30] =	ssyncadd.s32 $0xFFFFF380  }
0x193: {  	_ =	swait.ge [sflag:s30], $0xC80  }
0x194: {  	[sflag:s30] =	ssyncset.done $0x0  }
0x195: {  	[sflag:s30] =	ssyncadd.s32 $0xFFFFF380  }
0x196: {  	_ =	swait.ge [sflag:s30], $0xC80  }
0x197: {  	[sflag:s30] =	ssyncset.done $0x0  }
0x198: {  	[sflag:s30] =	ssyncadd.s32 $0xFFFFF380  }
0x199: {  	_ =	swait.ge [sflag:s30], $0xC80  }
0x19a: {  	[sflag:s30] =	ssyncset.done $0x0  }
0x19b: {  	[sflag:s30] =	ssyncadd.s32 $0xFFFFF380  }
0x19c: {  	_ =	swait.ge [sflag:s30], $0xC80  }
0x19d: {  	[sflag:s30] =	ssyncset.done $0x0  }
0x19e: {  	[sflag:s30] =	ssyncadd.s32 $0xFFFFF380  }
0x19f: {  	_ =	swait.ge [sflag:s30], $0xC80  }
0x1a0: {  	[sflag:s30] =	ssyncset.done $0x0  }
0x1a1: {  	[sflag:s30] =	ssyncadd.s32 $0xFFFFF380  }
0x1a2: {  	_ =	swait.ge [sflag:s30], $0xC80  }
0x1a3: {  	[sflag:s30] =	ssyncset.done $0x0  }
0x1a4: {  	[sflag:s30] =	ssyncadd.s32 $0xFFFFF380  }
0x1a5: {  	_ =	swait.ge [sflag:s30], $0xC80  }
0x1a6: {  	[sflag:s30] =	ssyncset.done $0x0  }
0x1a7: {  	p1 =	seq.s32 s14, $0x1B200;
	[sflag:s30] =	ssyncadd.s32 $0xFFFFF380  }
0x1a8: {  	[hbm4b:s0+s2] =	stream.linear.scatter [tilespmem:s13], [sflag:$0x3], $0x6400, $0x38;
	[tilespmem:$0x16A00] =	vst v63  }
0x1a9: {  	s14 =	sshra.s32 @!p1 s14, $0x2;
	_ =	swait.ge [sflag:s10], $0x6400  }
0x1aa: {  	s18 =	sadd.s32 @!p1 $0x3580, s14;
	[sflag:s10] =	ssyncset.done $0x0  }
0x1ab: {  	s19 =	simm.s32 @!p1 $0x32;
	s17 =	simm.s32 @!p1 $0xA200;
	[sflag:s10] =	ssyncadd.s32 $0xFFFF9C00  }
0x1ac: {  	[tilespmem:s17], [sflag:$0x1] =	stream.indirect.gather @!p1 [hbm4b:s3+s19], $0x40, s18, s19, $0xb8;
	[tilespmem:$0x16A00] =	vst v63  }
0x1ad: {  	s17 =	sadd.s32 @!p1 $0x35B8, s14;
	s18 =	simm.s32 @!p1 $0xAE80  }
0x1ae: {  	[tilespmem:s18], [sflag:$0x1] =	stream.indirect.gather @!p1 [hbm4b:s3+s19], $0x40, s17, s19, $0xb8;
	[tilespmem:$0x16A00] =	vst v63  }
0x1af: {  	s16 =	smov.u32 s15;
	s20 =	sadd.s32 @!p1 $0x35F0, s14;
	s17 =	simm.s32 @!p1 $0xBB00  }
0x1b0: {  	[tilespmem:s17], [sflag:$0x1] =	stream.indirect.gather @!p1 [hbm4b:s3+s19], $0x40, s20, s19, $0xb8;
	[tilespmem:$0x16A00] =	vst v63  }
0x1b1: {  	s21 =	sadd.s32 @!p1 $0x3660, s14;
	s18 =	sadd.s32 @!p1 $0x3628, s14;
	s17 =	simm.s32 @!p1 $0xC780  }
0x1b2: {  	[tilespmem:s17], [sflag:$0x1] =	stream.indirect.gather @!p1 [hbm4b:s3+s19], $0x40, s18, s19, $0xb8;
	[tilespmem:$0x16A00] =	vst v63  }
0x1b3: {  	s22 =	sadd.s32 @!p1 $0x36D0, s14;
	s20 =	sadd.s32 @!p1 $0x3698, s14;
	s17 =	simm.s32 @!p1 $0xD400  }
0x1b4: {  	[tilespmem:s17], [sflag:$0x1] =	stream.indirect.gather @!p1 [hbm4b:s3+s19], $0x40, s21, s19, $0xb8;
	[tilespmem:$0x16A00] =	vst v63  }
0x1b5: {  	s18 =	sadd.s32 @!p1 $0x3708, s14;
	s14 =	smov.u32 s16;
	s16 =	simm.s32 @!p1 $0xE080  }
0x1b6: {  	[tilespmem:s16], [sflag:$0x1] =	stream.indirect.gather @!p1 [hbm4b:s3+s19], $0x40, s20, s19, $0xb8;
	[tilespmem:$0x16A00] =	vst v63  }
0x1b7: {  	s16 =	simm.s32 @!p1 $0xED00  }
0x1b8: {  	[tilespmem:s16], [sflag:$0x1] =	stream.indirect.gather @!p1 [hbm4b:s3+s19], $0x40, s22, s19, $0xb8;
	[tilespmem:$0x16A00] =	vst v63  }
0x1b9: {  	s16 =	simm.s32 @!p1 $0xF980  }
0x1ba: {  	[tilespmem:s16], [sflag:$0x1] =	stream.indirect.gather @!p1 [hbm4b:s3+s19], $0x40, s18, s19, $0xb8;
	[tilespmem:$0x16A00] =	vst v63  }
0x1bb: {  	_ =	swait.ge [sflag:s31], $0xC80  }
0x1bc: {  	[sflag:s31] =	ssyncset.done $0x0  }
0x1bd: {  	[sflag:s31] =	ssyncadd.s32 $0xFFFFF380  }
0x1be: {  	_ =	swait.ge [sflag:s31], $0xC80  }
0x1bf: {  	[sflag:s31] =	ssyncset.done $0x0  }
0x1c0: {  	[sflag:s31] =	ssyncadd.s32 $0xFFFFF380  }
0x1c1: {  	_ =	swait.ge [sflag:s31], $0xC80  }
0x1c2: {  	[sflag:s31] =	ssyncset.done $0x0  }
0x1c3: {  	[sflag:s31] =	ssyncadd.s32 $0xFFFFF380  }
0x1c4: {  	_ =	swait.ge [sflag:s31], $0xC80  }
0x1c5: {  	[sflag:s31] =	ssyncset.done $0x0  }
0x1c6: {  	[sflag:s31] =	ssyncadd.s32 $0xFFFFF380  }
0x1c7: {  	_ =	swait.ge [sflag:s31], $0xC80  }
0x1c8: {  	[sflag:s31] =	ssyncset.done $0x0  }
0x1c9: {  	[sflag:s31] =	ssyncadd.s32 $0xFFFFF380  }
0x1ca: {  	_ =	swait.ge [sflag:s31], $0xC80  }
0x1cb: {  	[sflag:s31] =	ssyncset.done $0x0  }
0x1cc: {  	[sflag:s31] =	ssyncadd.s32 $0xFFFFF380  }
0x1cd: {  	_ =	swait.ge [sflag:s31], $0xC80  }
0x1ce: {  	[sflag:s31] =	ssyncset.done $0x0  }
0x1cf: {  	s15 =	sadd.s32 $0xE00, s15;
	[sflag:s31] =	ssyncadd.s32 $0xFFFFF380  }
0x1d0: {  	p0 =	sne.s32 s15, $0x1C000;
	_ =	swait.ge [sflag:s31], $0xC80  }
.Ltmp32:
0x1d1: {  	[sflag:s31] =	ssyncset.done $0x0;
	(pc) =	sbr.rel @p0 .LBB2_66-.Ltmp32, $4  }
0x1d2: {  	s22 =	sadd.s32 $0xC80, s0;
	[sflag:s31] =	ssyncadd.s32 $0xFFFFF380  }
0x1d3: {  	[hbm4b:s22+s2] =	stream.linear.scatter [tilespmem:s29], [sflag:$0x3], $0x6400, $0x38;
	[tilespmem:$0x16A00] =	vst v63  }
0x1d4: {  	s17 =	sshra.s32 s14, $0x2;
	_ =	swait.ge [sflag:s10], $0x6400  }
0x1d5: {  	s0 =	sadd.s32 $0x1900, s0;
	s18 =	rddreg [dreg:$0x3];
	[sflag:s10] =	ssyncset.done $0x0  }
0x1d6: {  	s15 =	sadd.s32 $0x33C0, s17;
	[sflag:s10] =	ssyncadd.s32 $0xFFFF9C00  }
0x1d7: {  	[tilespmem:s29], [sflag:$0x2] =	stream.indirect.gather [hbm4b:s3+s12], $0x40, s15, s12, $0xb8;
	[tilespmem:$0x16A00] =	vst v63  }
0x1d8: {  	s22 =	sadd.s32 $0x33F8, s17  }
0x1d9: {  	[tilespmem:s18], [sflag:$0x2] =	stream.indirect.gather [hbm4b:s3+s12], $0x40, s22, s12, $0xb8;
	[tilespmem:$0x16A00] =	vst v63  }
0x1da: {  	s16 =	rddreg [dreg:$0x4];
	s19 =	sadd.s32 $0x3430, s17  }
0x1db: {  	[tilespmem:s16], [sflag:$0x2] =	stream.indirect.gather [hbm4b:s3+s12], $0x40, s19, s12, $0xb8;
	[tilespmem:$0x16A00] =	vst v63  }
0x1dc: {  	s20 =	rddreg [dreg:$0x5];
	s21 =	sadd.s32 $0x3468, s17  }
0x1dd: {  	[tilespmem:s20], [sflag:$0x2] =	stream.indirect.gather [hbm4b:s3+s12], $0x40, s21, s12, $0xb8;
	[tilespmem:$0x16A00] =	vst v63  }
0x1de: {  	s22 =	rddreg [dreg:$0x6];
	s19 =	sadd.s32 $0x34A0, s17  }
0x1df: {  	[tilespmem:s22], [sflag:$0x2] =	stream.indirect.gather [hbm4b:s3+s12], $0x40, s19, s12, $0xb8;
	[tilespmem:$0x16A00] =	vst v63  }
0x1e0: {  	s20 =	rddreg [dreg:$0x7];
	s21 =	sadd.s32 $0x34D8, s17  }
0x1e1: {  	[tilespmem:s20], [sflag:$0x2] =	stream.indirect.gather [hbm4b:s3+s12], $0x40, s21, s12, $0xb8;
	[tilespmem:$0x16A00] =	vst v63  }
0x1e2: {  	s22 =	rddreg [dreg:$0x8];
	s19 =	sadd.s32 $0x3510, s17  }
0x1e3: {  	[tilespmem:s22], [sflag:$0x2] =	stream.indirect.gather [hbm4b:s3+s12], $0x40, s19, s12, $0xb8;
	[tilespmem:$0x16A00] =	vst v63  }
0x1e4: {  	s20 =	rddreg [dreg:$0x9];
	s21 =	sadd.s32 $0x3548, s17  }
0x1e5: {  	[tilespmem:s20], [sflag:$0x2] =	stream.indirect.gather [hbm4b:s3+s12], $0x40, s21, s12, $0xb8;
	[tilespmem:$0x16A00] =	vst v63  }
0x1e6: {  	_ =	swait.ge [sflag:s30], $0xC80  }
0x1e7: {  	[sflag:s30] =	ssyncset.done $0x0  }
0x1e8: {  	[sflag:s30] =	ssyncadd.s32 $0xFFFFF380  }
0x1e9: {  	_ =	swait.ge [sflag:s30], $0xC80  }
0x1ea: {  	[sflag:s30] =	ssyncset.done $0x0  }
0x1eb: {  	[sflag:s30] =	ssyncadd.s32 $0xFFFFF380  }
0x1ec: {  	_ =	swait.ge [sflag:s30], $0xC80  }
0x1ed: {  	[sflag:s30] =	ssyncset.done $0x0  }
0x1ee: {  	[sflag:s30] =	ssyncadd.s32 $0xFFFFF380  }
0x1ef: {  	_ =	swait.ge [sflag:s30], $0xC80  }
0x1f0: {  	[sflag:s30] =	ssyncset.done $0x0  }
0x1f1: {  	[sflag:s30] =	ssyncadd.s32 $0xFFFFF380  }
0x1f2: {  	_ =	swait.ge [sflag:s30], $0xC80  }
0x1f3: {  	[sflag:s30] =	ssyncset.done $0x0  }
0x1f4: {  	[sflag:s30] =	ssyncadd.s32 $0xFFFFF380  }
0x1f5: {  	_ =	swait.ge [sflag:s30], $0xC80  }
0x1f6: {  	[sflag:s30] =	ssyncset.done $0x0  }
0x1f7: {  	[sflag:s30] =	ssyncadd.s32 $0xFFFFF380  }
0x1f8: {  	_ =	swait.ge [sflag:s30], $0xC80  }
0x1f9: {  	[sflag:s30] =	ssyncset.done $0x0  }
0x1fa: {  	[sflag:s30] =	ssyncadd.s32 $0xFFFFF380  }
0x1fb: {  	_ =	swait.ge [sflag:s30], $0xC80  }
0x1fc: {  	[sflag:s30] =	ssyncset.done $0x0  }
0x1fd: {  	[sflag:s30] =	ssyncadd.s32 $0xFFFFF380  }
0x1fe: {  	[hbm4b:s0+s2] =	stream.linear.scatter [tilespmem:s13], [sflag:$0x3], $0x6400, $0x38;
	[tilespmem:$0x16A00] =	vst v63  }
0x1ff: {  	p0 =	seq.s32 s14, $0x1B200;
	_ =	swait.ge [sflag:s10], $0x6400  }
0x200: {  	s14 =	sshra.s32 @!p0 s14, $0x2;
	s15 =	simm.s32 @!p0 $0xA200;
	[sflag:s10] =	ssyncset.done $0x0  }
0x201: {  	s16 =	sadd.s32 @!p0 $0x3580, s14;
	s17 =	simm.s32 @!p0 $0x32;
	[sflag:s10] =	ssyncadd.s32 $0xFFFF9C00  }
0x202: {  	[tilespmem:s15], [sflag:$0x1] =	stream.indirect.gather @!p0 [hbm4b:s3+s17], $0x40, s16, s17, $0xb8;
	[tilespmem:$0x16A00] =	vst v63  }
0x203: {  	s15 =	sadd.s32 @!p0 $0x35B8, s14;
	s16 =	simm.s32 @!p0 $0xAE80  }
0x204: {  	[tilespmem:s16], [sflag:$0x1] =	stream.indirect.gather @!p0 [hbm4b:s3+s17], $0x40, s15, s17, $0xb8;
	[tilespmem:$0x16A00] =	vst v63  }
0x205: {  	s15 =	sadd.s32 @!p0 $0x35F0, s14;
	s16 =	simm.s32 @!p0 $0xBB00  }
0x206: {  	[tilespmem:s16], [sflag:$0x1] =	stream.indirect.gather @!p0 [hbm4b:s3+s17], $0x40, s15, s17, $0xb8;
	[tilespmem:$0x16A00] =	vst v63  }
0x207: {  	s15 =	sadd.s32 @!p0 $0x3628, s14;
	s16 =	simm.s32 @!p0 $0xC780  }
0x208: {  	[tilespmem:s16], [sflag:$0x1] =	stream.indirect.gather @!p0 [hbm4b:s3+s17], $0x40, s15, s17, $0xb8;
	[tilespmem:$0x16A00] =	vst v63  }
0x209: {  	s15 =	sadd.s32 @!p0 $0x3660, s14;
	s16 =	simm.s32 @!p0 $0xD400  }
0x20a: {  	[tilespmem:s16], [sflag:$0x1] =	stream.indirect.gather @!p0 [hbm4b:s3+s17], $0x40, s15, s17, $0xb8;
	[tilespmem:$0x16A00] =	vst v63  }
0x20b: {  	s15 =	sadd.s32 @!p0 $0x3698, s14;
	s16 =	simm.s32 @!p0 $0xE080  }
0x20c: {  	[tilespmem:s16], [sflag:$0x1] =	stream.indirect.gather @!p0 [hbm4b:s3+s17], $0x40, s15, s17, $0xb8;
	[tilespmem:$0x16A00] =	vst v63  }
0x20d: {  	s15 =	sadd.s32 @!p0 $0x36D0, s14;
	s16 =	simm.s32 @!p0 $0xED00  }
0x20e: {  	[tilespmem:s16], [sflag:$0x1] =	stream.indirect.gather @!p0 [hbm4b:s3+s17], $0x40, s15, s17, $0xb8;
	[tilespmem:$0x16A00] =	vst v63  }
0x20f: {  	s14 =	sadd.s32 @!p0 $0x3708, s14;
	s15 =	simm.s32 @!p0 $0xF980  }
0x210: {  	[tilespmem:s15], [sflag:$0x1] =	stream.indirect.gather @!p0 [hbm4b:s3+s17], $0x40, s14, s17, $0xb8;
	[tilespmem:$0x16A00] =	vst v63  }
0x211: {  	_ =	swait.ge [sflag:s31], $0xC80  }
0x212: {  	[sflag:s31] =	ssyncset.done $0x0  }
0x213: {  	[sflag:s31] =	ssyncadd.s32 $0xFFFFF380  }
0x214: {  	_ =	swait.ge [sflag:s31], $0xC80  }
0x215: {  	[sflag:s31] =	ssyncset.done $0x0  }
0x216: {  	[sflag:s31] =	ssyncadd.s32 $0xFFFFF380  }
0x217: {  	_ =	swait.ge [sflag:s31], $0xC80  }
0x218: {  	[sflag:s31] =	ssyncset.done $0x0  }
0x219: {  	[sflag:s31] =	ssyncadd.s32 $0xFFFFF380  }
0x21a: {  	_ =	swait.ge [sflag:s31], $0xC80  }
0x21b: {  	[sflag:s31] =	ssyncset.done $0x0  }
0x21c: {  	[sflag:s31] =	ssyncadd.s32 $0xFFFFF380  }
0x21d: {  	_ =	swait.ge [sflag:s31], $0xC80  }
0x21e: {  	[sflag:s31] =	ssyncset.done $0x0  }
0x21f: {  	[sflag:s31] =	ssyncadd.s32 $0xFFFFF380  }
0x220: {  	_ =	swait.ge [sflag:s31], $0xC80  }
0x221: {  	[sflag:s31] =	ssyncset.done $0x0  }
0x222: {  	[sflag:s31] =	ssyncadd.s32 $0xFFFFF380  }
0x223: {  	_ =	swait.ge [sflag:s31], $0xC80  }
0x224: {  	[sflag:s31] =	ssyncset.done $0x0  }
0x225: {  	[sflag:s31] =	ssyncadd.s32 $0xFFFFF380  }
0x226: {  	s1 =	sadd.s32 $0x1, s1;
	_ =	swait.ge [sflag:s31], $0xC80  }
0x227: {  	p0 =	sne.s32 s1, s6;
	[sflag:s31] =	ssyncset.done $0x0  }
.Ltmp33:
0x228: {  	s22 =	sadd.s32 $0xC80, s0;
	[sflag:s31] =	ssyncadd.s32 $0xFFFFF380;
	(pc) =	sbr.rel @p0 .LBB2_1-.Ltmp33, $4  }
0x229: {  	[hbm4b:s22+s2] =	stream.linear.scatter [tilespmem:s29], [sflag:$0x3], $0x6400, $0x38;
	[tilespmem:$0x16A00] =	vst v63  }
0x22a: {  	_ =	swait.ge [sflag:s10], $0x6400  }
0x22b: {  	[sflag:s10] =	ssyncset.done $0x0  }
0x22c: {  	[sflag:s10] =	ssyncadd.s32 $0xFFFF9C00  }
0x22d: {  	_ =	sfence.sel $0x180000  }
0x22e: {  	[bflag:$0x0] =	sbarrier.arrive $0xFFFF  }
0x22f: {  	_ =	strace $0x90000047  }
0x230: {  	s0 =	stileid.u32;
	[bflag:$0x2] =	sbarrier.arrive $0xFFFF  }
0x231: {  	p0 =	sne.s32 s0, $0x0;
	s0 =	rddreg [dreg:$0x2]  }
0x232: {  	s0 =	sadd.s32 @!p0 $0x100000, s0  }
0x233: {  	[sflag:s0] =	ssyncadd.tile.s32 @!p0 $0x1;
	_ =	shalt  }
.Lfunc_end2:
_tile_overlayer_lowered:
.L_overlay_start_2:
0x234: {  	(tag) =	ssettag $0x2  }
0x235: {  	s0 =	rddreg [dreg:$0x0];
	s2 =	stileid.u32  }
0x236: {  	s1 =	rddreg [dreg:$0x1];
	p0 =	sne.s32 s2, $0x0  }
0x237: {  	s3 =	rddreg [dreg:$0x2];
	[bflag:$0x3] =	sbarrier.arrive $0xFFFF;
	s2 =	simm.s32 @!p0 $0x1C03  }
0x238: {  	[timem:s3], [sflag:s2] =	dma.local @!p0 [hbm:s0], s1  }
0x239: {  	s0 =	simm.s32 @!p0 $0x3  }
0x23a: {  	_ =	swait.ge @!p0 [sflag:s0], s1  }
0x23b: {  	s1 =	ssub.s32 @!p0 $0x0, s1;
	[sflag:s0] =	ssyncset.done @!p0 $0x0  }
0x23c: {  	[sflag:s0] =	ssyncadd.s32 @!p0 s1  }
0x23d: {  	[bflag:$0x3] =	sbarrier.arrive $0xFFFF  }
0x23e: {  	_ =	shalt  }

// kernel: sparse-core-data-format-call.cloned.1.call-start
scs
called_computation_lowered:
.L_overlay_start_0:
0x0: {  	s2 =	sld [smem:$0x3FD9]  }
0x1: {  	s3 =	sld [smem:$0x3FFE];
	_ =	sdelay $0x1  }
0x2: {  	s1 =	srdreg.scid  }
0x3: {  	s0 =	sand.u32 $0x1, s1  }
0x4: {  	s18 =	sshll.u32 s0, $0xA;
	s2 =	sadd.s32 s3, s2  }
0x5: {  	s2 =	sadd.s32 s2, s18  }
0x6: {  	[smem:$0x3FC6] =	sst s2  }
0x7: {  	_ = 	snop  }
0x8: {  	s2 =	sld [smem:$0x3FD0];
	(tm) =	ssettm $0x1  }
0x9: {  	s19 =	sld [smem:$0x3FFB];
	_ =	sdelay $0x3  }
0xa: {  	_ =	strace s19  }
0xb: {  	s3 =	sld [smem:$0x3FFC];
	_ =	sdelay $0x3  }
0xc: {  	_ =	strace s3  }
0xd: {  	s3 =	sld [smem:$0x3FFD];
	_ =	sdelay $0x3  }
0xe: {  	_ =	strace s3  }
0xf: {  	_ =	strace $0x8FFFFFFF  }
0x10: {  	s20 =	sld [smem:$0x3FDB];
	_ =	sdelay $0x1  }
0x11: {  	s4 =	simm.s32 $_scs_section_size  }
0x12: {  	s5 =	simm.s32 $_size__tile_overlayer_lowered;
	s6 =	simm.s32 $_tile_overlayer_lowered  }
0x13: {  	s23 =	simm.s32 $0x1BFF;
	s22 =	sshll.u32 s6, $0x1;
	s3 =	sadd.s32 s4, s20  }
0x14: {  	s7 =	simm.s32 $0x0;
	s21 =	sshll.u32 s5, $0x1;
	s5 =	sadd.s32 s22, s3  }
0x15: {  	[timem:s7], [sflag:s23] =	dma.local [hbm:s5], s21  }
0x16: {  	_ =	swait.ge [sflag:s23], s21  }
0x17: {  	s4 =	ssub.s32 $0x0, s21;
	[sflag:s23] =	ssyncset.done $0x0  }
0x18: {  	[sflag:s23] =	ssyncadd.s32 s4;
	_ =	sdelay $0x1  }
0x19: {  	s24 =	simm.s32 $0x1B8B  }
0x1a: {  	_ =	swait.ge [sflag:s24], $0x1  }
0x1b: {  	[sflag:s24] =	ssyncset.done $0x0  }
0x1c: {  	s26 =	simm.s32 $0x1B8E;
	s25 =	sld [smem:$0x3FFE];
	[sflag:s24] =	ssyncadd.s32 $0xFFFFFFFF  }
0x1d: {  	s27 =	simm.s32 $execute0_lowered;
	[smem:$0x3FD2] =	sst s26  }
0x1e: {  	s5 =	sshll.u32 s27, $0x1;
	_ =	strace $0x80000049;
	[dreg:$0x1] =	wrdreg $0xFFFFFFFF  }
0x1f: {  	s28 =	simm.s32 $_size_execute0_lowered;
	s3 =	sadd.s32 s3, s5;
	[dreg:$0x0] =	wrdreg $0x0  }
0x20: {  	s5 =	sshll.u32 s28, $0x1;
	[dreg:$0x2] =	wrdreg s3  }
0x21: {  	[dreg:$0x3] =	wrdreg s5  }
0x22: {  	[dreg:$0x4] =	wrdreg $0xC0  }
0x23: {  	_ =	task [dreg:s7], $0x5FFFF  }
0x24: {  	[dreg:$0x1] =	wrdreg $0xFFFFFFFF  }
0x25: {  	[dreg:$0x0] =	wrdreg $0x60  }
0x26: {  	[dreg:$0x2] =	wrdreg s25  }
0x27: {  	[dreg:$0x3] =	wrdreg s2  }
0x28: {  	[dreg:$0x4] =	wrdreg $0x9  }
0x29: {  	_ =	task.clear_ibuf [dreg:s7], $0x5FFFF;
	_ =	strace $0x90000049  }
0x2a: {  	s29 =	simm.s32 $0x9;
	_ =	strace $0x8000004B  }
0x2b: {  	_ =	swait.ge [sflag:s29], $0x1  }
0x2c: {  	[sflag:s29] =	ssyncadd.s32 $0xFFFFFFFF  }
0x2d: {  	_ =	strace $0x9000004B  }
0x2e: {  	_ =	sfence  }
0x2f: {  	s30 =	sld [smem:$0x0];
	_ =	sdelay $0x2  }
0x30: {  	s31 =	sshll.u32 s1, $0xD;
	s1 =	sshrl.u32 s1, $0x2  }
0x31: {  	s3 =	sand.u32 $0x4000, s31;
	s1 =	sadd.s32 s1, s30  }
0x32: {  	s0 =	sor.u32 s3, s0;
	s1 =	sshll.u32 s1, $0x11  }
0x33: {  	s0 =	sor.u32 s1, s0  }
0x34: {  	s0 =	sadd.s32 $0x8F2B, s0  }
0x35: {  	[sflag:s0] =	ssyncadd.remote.s32 $0x1  }
0x36: {  	_ =	sfence.sel $0xFFFF  }
0x37: {  	[dreg:$0x0] =	wrdreg $0xFFFFFFFF;
	(pc) =	sbr.abs _section_cstart, $3  }
0x38: {  	[dreg:$0x1] =	wrdreg $0xFFFFFFFF  }
0x39: {  	_ =	task.clear_ibuf [dreg:s7], $0x2FFFF;
	_ =	strace $0x9FFFFFFF  }
0x3a: {  	(tm) =	ssettm $0x7FFFFFFF  }
0x3b: {  	_ =	shalt  }
tec
execute0_lowered:
.L_overlay_start_1:
0x0: {  	(tag) =	ssettag $0x1  }
0x1: {  	s0 =	srdreg.scid  }
0x2: {  	s1 =	sshll.u32 s0, $0x4  }
0x3: {  	s0 =	stileid.u32;
	s1 =	sand.u32 $0x10, s1  }
0x4: {  	s1 =	sor.u32 s0, s1  }
0x5: {  	s6 =	rddreg [dreg:$0x0];
	s4 =	simm.s32 $0x1;
	s2 =	sshll.u32 s1, $0x7  }
0x6: {  	s7 =	simm.s32 $0x2;
	s12 =	simm.s32 $0x0;
	s1 =	ssub.s32 $0x4000, s2  }
0x7: {  	s8 =	simm.s32 $0x20000;
	s13 =	simm.s32 $0x0;
	s3 =	sand.u32 $0xF80, s1  }
0x8: {  	s9 =	simm.s32 $0x0;
	s5 =	sshrl.u32 s1, $0xC;
	p0 =	sne.s32 s3, $0x0  }
.Ltmp0:
0x9: {  	s1 =	rddreg [dreg:$0x2];
	s4 =	simm.s32 @!p0 $0x0;
	(pc) =	sbr.rel .LBB1_1-.Ltmp0, $4  }
0xa: {  	s11 =	simm.s32 $0x0;
	s3 =	rddreg [dreg:$0x1];
	s5 =	sadd.s32 s4, s5  }
0xb: {  	_ =	strace $0x8000004A;
	s4 =	simm.s32 $0x1;
	s5 =	smul.u32 $0x32, s5  }
0xc: {  	s6 =	sadd.s32 $0xA00, s6;
	s10 =	smov.u32 s2;
	[sflag:s4] =	ssyncpa.u1 $0x0  }
0xd: {  	p0 =	por $0x0, $0x0;
	[sflag:s7] =	ssyncpa.u1 $0x0;
	s7 =	sor.u32 $0x1, s5  }
.LBB1_4:
0xe: {  	s16 =	sshll.u32 s13, $0x3;
	s17 =	sand.u32 $0x78, s13  }
0xf: {  	s30 =	sand.u32 $0x1F800, s13;
	s12 =	sshll.u32 s12, $0x11;
	s16 =	sand.u32 $0x3C00, s16  }
0x10: {  	[tilespmem:s15+$0x810 ss:$0x81] =	vst.msk $0xffff, v2;
	s31 =	sand.u32 $0x7, s13;
	s16 =	sor.u32 s17, s16;
	s17 =	sadd.s32 s3, s30  }
0x11: {  	[tilespmem:s15+$0x1020 ss:$0x81] =	vst.msk $0xffff, v0;
	s13 =	sshll.u32 s31, $0x12;
	s12 =	sadd.s32 s12, s17;
	s16 =	sshrl.u32 s16, $0x3  }
0x12: {  	[tilespmem:s15+$0x0 ss:$0x81] =	vst.msk $0xffff, v1;
	s13 =	sor.u32 $0x400, s13;
	s12 =	sadd.s32 s16, s12  }
0x13: {  	[hbm4b:s12+s13] =	stream.strided.scatter [tilespmem:s14], [sflag:$0x2], $0x2000, s8, s13, $0x20;
	[tilespmem:$0x8080] =	vst v63  }
.LBB1_5:
0x14: {  	s14 =	sadd.s32 $0x1, s9  }
0x15: {  	s12 =	sadd.s32 $0x1000, s10;
	s16 =	smov.u32 s10;
	p2 =	sgt.s32 s14, $0x31  }
0x16: {  	s16 =	smov.u32 @p2 s12  }
0x17: {  	s14 =	simm.s32 @p2 $0x0;
	p2 =	sgt.s32 s16, $0x3FFF  }
0x18: {  	s16 =	smov.u32 @p2 s2;
	p2 =	sne.s32 s11, s7  }
.Ltmp1:
0x19: {  	p1 =	slt.u32 s11, $0x2;
	(pc) =	sbr.rel @!p2 .LBB1_6-.Ltmp1, $4  }
0x1a: {  	s15 =	simm.s32 @!p1 $0x2  }
0x1b: {  	s13 =	smov.u32 s10;
	p0 =	por !p0, !p0;
	_ =	swait.ge @!p1 [sflag:s15], $0x2000  }
0x1c: {  	s12 =	smov.u32 s9;
	[sflag:s15] =	ssyncset.done @!p1 $0x0;
	s9 =	smov.u32 s14  }
0x1d: {  	s11 =	sadd.s32 $0x1, s11;
	[sflag:s15] =	ssyncadd.s32 @!p1 $0xFFFFE000;
	s10 =	smov.u32 s16  }
.LBB1_1:
0x1e: {  	p1 =	sge.u32 s11, s5  }
0x1f: {  	s14 =	sand.u32 @!p1 $0x1FFFFFF, s9  }
0x20: {  	s15 =	smulhi.u32 @!p1 $0x4924925, s14;
	_ =	sdelay $0x1  }
0x21: {  	s15 =	smul.u32 @!p1 $0x38, s15  }
0x22: {  	s16 =	sxor.u32 @!p1 $0xFFFFFFFF, s11;
	s17 =	smul.u32 @!p1 $0x380, s10  }
0x23: {  	s31 =	sadd.s32 $0xFFFFFFFF, s11;
	s16 =	sshll.u32 @!p1 s16, $0xD;
	s14 =	ssub.s32 @!p1 s14, s15  }
0x24: {  	s15 =	sand.u32 @!p1 $0x2000, s16;
	s16 =	sadd.s32 @!p1 s6, s17;
	s14 =	sshll.u32 @!p1 s14, $0x4  }
0x25: {  	s17 =	simm.s32 @!p1 $0x1C00;
	s14 =	sadd.s32 @!p1 s14, s16;
	s16 =	simm.s32 @!p1 $0x40  }
0x26: {  	[tilespmem:s15], [sflag:$0x1] =	stream.strided.gather @!p1 [hbm4b:s14+s16], $0x2000, s17, s16, $0x38;
	[tilespmem:$0x8080] =	vst v63  }
0x27: {  	p1 =	sge.u32 s31, s5  }
.Ltmp2:
0x28: {  	_ = 	snop;
	(pc) =	sbr.rel @p1 .LBB1_5-.Ltmp2, $1  }
0x29: {  	_ =	sdelay $0x3  }
0x2a: {  	s14 =	simm.s32 $0x1  }
0x2b: {  	_ =	swait.ge [sflag:s4], $0x2000;
	s14 =	simm.s32 @!p0 $0x0  }
0x2c: {  	[sflag:s4] =	ssyncset.done $0x0;
	s15 =	sshll.u32 s14, $0xD  }
0x2d: {  	[sflag:s4] =	ssyncadd.s32 $0xFFFFE000;
	s18 =	sor.u32 $0x20, s15  }
0x2e: {  	s14 =	smul.u32 $0x8100, s14;
	v3 =	vld [tilespmem:s18+$0x10]  }
0x2f: {  	s30 =	sand.u32 $0x1, s11;
	v2 =	vld [tilespmem:s18+$0xFFFFFFF0]  }
0x30: {  	s15 =	smul.u32 $0x8100, s30;
	s14 =	sshrl.u32 s14, $0x2;
	v0 =	vld [tilespmem:s18+$0x0]  }
0x31: {  	v1 =	vld [tilespmem:s18+$0xFFFFFFE0];
	s16 =	sor.u32 $0x4000, s14  }
0x32: {  	s31 =	sshrl.u32 s15, $0x2;
	s15 =	sadd.s32 $0x0, s16  }
0x33: {  	s17 =	simm.s32 $0x4;
	s18 =	sadd.s32 $0x40, s18;
	s14 =	sor.u32 $0x4000, s31;
	[tilespmem:s15+$0x1830 ss:$0x81] =	vst.msk $0xffff, v3  }
.LBB1_3:
0x34: {  	v3 =	vld [tilespmem:s18+$0x10];
	p1 =	sne.s32 s17, $0x1FC;
	[tilespmem:s15+$0x810 ss:$0x81] =	vst.msk $0xffff, v2;
	s19 =	smov.u32 s17;
	s17 =	sadd.s32 $0x4, s17  }
.Ltmp3:
0x35: {  	v2 =	vld [tilespmem:s18+$0xFFFFFFF0];
	[tilespmem:s15+$0x1020 ss:$0x81] =	vst.msk $0xffff, v0;
	(pc) =	sbr.rel @p1 .LBB1_3-.Ltmp3, $4  }
0x36: {  	v0 =	vld [tilespmem:s18+$0x0];
	[tilespmem:s15+$0x0 ss:$0x81] =	vst.msk $0xffff, v1  }
0x37: {  	s15 =	sshra.s32 s19, $0x2;
	v1 =	vld [tilespmem:s18+$0xFFFFFFE0]  }
0x38: {  	s15 =	sadd.s32 s15, s16  }
0x39: {  	s18 =	sadd.s32 $0x40, s18;
	[tilespmem:s15+$0x1830 ss:$0x81] =	vst.msk $0xffff, v3  }
.Ltmp4:
0x3a: {  	_ = 	snop;
	(pc) =	sbr.rel .LBB1_4-.Ltmp4, $1  }
0x3b: {  	_ =	sdelay $0x3  }
.LBB1_6:
0x3c: {  	_ =	sfence.sel $0x180000  }
0x3d: {  	s2 =	simm.s32 $0x1;
	[bflag:$0x0] =	sbarrier.arrive $0xFFFF  }
0x3e: {  	s31 =	simm.s32 $0x2;
	[sflag:s2] =	ssyncpa.u1 $0x1  }
0x3f: {  	[sflag:s31] =	ssyncpa.u1 $0x1  }
0x40: {  	p0 =	sne.s32 s0, $0x0;
	_ =	strace $0x9000004A  }
0x41: {  	s0 =	sadd.s32 @!p0 $0x100000, s1;
	[bflag:$0x2] =	sbarrier.arrive $0xFFFF  }
0x42: {  	[sflag:s0] =	ssyncadd.tile.s32 @!p0 $0x1;
	_ =	shalt  }
.Lfunc_end1:
_tile_overlayer_lowered:
.L_overlay_start_2:
0x43: {  	(tag) =	ssettag $0x2  }
0x44: {  	s0 =	rddreg [dreg:$0x0];
	s2 =	stileid.u32  }
0x45: {  	s1 =	rddreg [dreg:$0x1];
	p0 =	sne.s32 s2, $0x0  }
0x46: {  	s3 =	rddreg [dreg:$0x2];
	[bflag:$0x3] =	sbarrier.arrive $0xFFFF;
	s2 =	simm.s32 @!p0 $0x1C01  }
0x47: {  	[timem:s3], [sflag:s2] =	dma.local @!p0 [hbm:s0], s1  }
0x48: {  	s0 =	simm.s32 @!p0 $0x1  }
0x49: {  	_ =	swait.ge @!p0 [sflag:s0], s1  }
0x4a: {  	s1 =	ssub.s32 @!p0 $0x0, s1;
	[sflag:s0] =	ssyncset.done @!p0 $0x0  }
0x4b: {  	[sflag:s0] =	ssyncadd.s32 @!p0 s1  }
0x4c: {  	[bflag:$0x3] =	sbarrier.arrive $0xFFFF  }
0x4d: {  	_ =	shalt  }

</sc_bundles>
